<compile_context>
chip_gen: v7x
topology: tpu7x:2x2x1
jax: 0.10.2.dev20260603
libtpu: 0.0.44.dev20260713+nightly
codegen_flags: <defaults>
</compile_context>

<pallas_src>
import functools

import jax
import jax.numpy as jnp
from jax import lax
from jax.experimental import pallas as pl
from jax.experimental.pallas import tpu as pltpu
from jax.experimental.pallas import tpu_sc as plsc

EMB = 64
_NC = 2
_NS = 16
_CH = 128


def _relu(v):
    return jnp.maximum(v, 0.0)


def _dot(a, b):
    return lax.dot_general(a, b, (((1,), (0,)), ((), ())),
                           preferred_element_type=jnp.float32)



def _encode_nodes_body(x_ref, w1_ref, b1_ref, w2_ref, b2_ref, h2_ref):
    h = _relu(_dot(x_ref[...], w1_ref[...]) + b1_ref[...])
    h = _relu(_dot(h, w2_ref[...]) + b2_ref[...])
    h2_ref[:, :EMB] = h
    h2_ref[:, EMB:] = h


def _encode_edges_body(a_ref, w1_ref, b1_ref, w2_ref, b2_ref, c2_ref, bc_ref,
                       ea_ref):
    e = _relu(_dot(a_ref[...], w1_ref[...]) + b1_ref[...])
    e = _relu(_dot(e, w2_ref[...]) + b2_ref[...])
    ea_ref[:, :EMB] = e
    ea_ref[:, EMB:] = _dot(e, c2_ref[...]) + bc_ref[...]


def _proj_body(h2_ref, wsd_ref, wb_ref, ps_ref, pd_ref):
    h2 = h2_ref[...]
    ps_ref[...] = _dot(h2, wsd_ref[...])
    pd_ref[:, :EMB] = _dot(h2, wb_ref[...])
    pd_ref[:, EMB:] = jnp.zeros_like(h2[:, EMB:])


def _edge_mlp_body(gs_ref, gd_ref, ea_ref,
                   c1_ref, w2_ref, b2_ref, f_ref, b3_ref, w4_ref, b4_ref,
                   eao_ref, m_ref):
    gs = gs_ref[...]
    ea_in = ea_ref[...]
    t = _relu(gs[:, :EMB] + gd_ref[:, :EMB]
              + _dot(ea_in[:, :EMB], c1_ref[...]) + ea_in[:, EMB:])
    ea_new = _relu(_dot(t, w2_ref[...]) + b2_ref[...])
    u = _relu(gs[:, EMB:] + _dot(ea_new, f_ref[...]) + b3_ref[...])
    m_ref[...] = _relu(_dot(u, w4_ref[...]) + b4_ref[...])
    eao_ref[:, :EMB] = ea_new
    eao_ref[:, EMB:] = ea_in[:, EMB:]


def _node_update_body(h2_ref, agg_ref, wg_ref, wh_ref, ba_ref, w2_ref, b2_ref,
                      h2o_ref):
    z = _relu(_dot(h2_ref[...], wg_ref[...])
              + _dot(agg_ref[...], wh_ref[...]) + ba_ref[...])
    hn = _relu(_dot(z, w2_ref[...]) + b2_ref[...])
    h2o_ref[:, :EMB] = hn
    h2o_ref[:, EMB:] = h2_ref[:, EMB:]


def _decoder_body(h_ref, w3_ref, b3_ref, w4_ref, b4_ref, w5_ref, b5_ref,
                  o_ref):
    o = _relu(_dot(h_ref[:, :EMB], w3_ref[...]) + b3_ref[...])
    o = _relu(_dot(o, w4_ref[...]) + b4_ref[...])
    o_ref[...] = _dot(o, w5_ref[...]) + b5_ref[...]


def _sc_gather(ps, pd, send, recv):
    E = send.shape[0]
    nch = E // _CH
    assert E % _CH == 0
    nw = _NC * _NS
    full, extra = divmod(nch, nw)
    mesh = plsc.VectorSubcoreMesh(core_axis_name="c", subcore_axis_name="s")

    @functools.partial(
        pl.kernel, mesh=mesh,
        out_type=[jax.ShapeDtypeStruct((E, 2 * EMB), jnp.float32),
                  jax.ShapeDtypeStruct((E, 2 * EMB), jnp.float32)],
        scratch_types=[pltpu.VMEM((1, _CH), jnp.int32),
                       pltpu.VMEM((1, _CH), jnp.int32),
                       pltpu.VMEM((_CH, 2 * EMB), jnp.float32),
                       pltpu.VMEM((_CH, 2 * EMB), jnp.float32),
                       pltpu.SemaphoreType.DMA],
    )
    def k(ps_hbm, pd_hbm, send_hbm, recv_hbm, gs_hbm, gd_hbm,
          idxs_v, idxr_v, bufs_v, bufd_v, sem):
        c = lax.axis_index("c")
        s = lax.axis_index("s")
        w = s * _NC + c
        nk = jnp.where(w < extra, full + 1, full)

        def body(i, carry):
            off = (w + i * nw) * _CH
            pltpu.sync_copy(send_hbm.at[pl.ds(off, _CH)], idxs_v.at[0])
            pltpu.sync_copy(recv_hbm.at[pl.ds(off, _CH)], idxr_v.at[0])
            pltpu.async_copy(ps_hbm.at[idxs_v.at[0]], bufs_v, sem).wait()
            pltpu.async_copy(pd_hbm.at[idxr_v.at[0]], bufd_v, sem).wait()
            pltpu.sync_copy(bufs_v, gs_hbm.at[pl.ds(off, _CH)])
            pltpu.sync_copy(bufd_v, gd_hbm.at[pl.ds(off, _CH)])
            return carry

        lax.fori_loop(0, nk, body, 0)

    return k(ps, pd, send, recv)


_RNG_N = 8448
_NPASS = 3


def _sc_scatter_add(m, loc, zrows, n_nodes):
    E = m.shape[0]
    nch = E // _CH
    assert E % _CH == 0
    rng_n = _RNG_N
    acc_rows = 8576
    zpt = acc_rows // _NS
    wpt = rng_n // _NS
    nrng = _NC * _NPASS
    assert nrng * rng_n >= n_nodes
    full, extra = divmod(nch, _NS)
    mesh = plsc.VectorSubcoreMesh(core_axis_name="c", subcore_axis_name="s")

    @functools.partial(
        pl.kernel, mesh=mesh,
        out_type=jax.ShapeDtypeStruct((nrng * rng_n, EMB), jnp.float32),
        scratch_types=[pltpu.VMEM((_CH,), jnp.int32),
                       pltpu.VMEM((_CH, EMB), jnp.float32),
                       pltpu.VMEM_SHARED((acc_rows, EMB), jnp.float32)],
    )
    def k(m_hbm, loc_hbm, z_hbm, agg_hbm, idx_v, mbuf_v, acc):
        c = lax.axis_index("c")
        s = lax.axis_index("s")
        nk = jnp.where(s < extra, full + 1, full)
        for p in range(_NPASS):
            r = c * _NPASS + p
            base = r * rng_n
            pltpu.sync_copy(z_hbm.at[pl.ds(s * zpt, zpt)],
                            acc.at[pl.ds(s * zpt, zpt)])
            plsc.subcore_barrier()

            def body(i, carry):
                off = (s + i * _NS) * _CH
                pltpu.sync_copy(loc_hbm.at[pl.ds(r * E + off, _CH)], idx_v)
                pltpu.sync_copy(m_hbm.at[pl.ds(off, _CH)], mbuf_v)
                pltpu.sync_copy(mbuf_v, acc.at[idx_v], add=True)
                return carry

            lax.fori_loop(0, nk, body, 0)
            plsc.subcore_barrier()
            pltpu.sync_copy(acc.at[pl.ds(s * wpt, wpt)],
                            agg_hbm.at[pl.ds(base + s * wpt, wpt)])
            plsc.subcore_barrier()

    return k(m, loc, zrows)[:n_nodes]


def _row_call(body, n, bn, blocked, weights, out_cols):
    grid = (n // bn,)
    in_specs = [pl.BlockSpec((bn, bc), (lambda ci: (lambda i: (i, ci)))(ci))
                for (_, bc, ci) in blocked]
    in_specs += [pl.BlockSpec(w.shape, (lambda nd: (lambda i: (0,) * nd))(w.ndim))
                 for w in weights]
    out_specs = [pl.BlockSpec((bn, c), lambda i: (i, 0)) for c in out_cols]
    out_shape = [jax.ShapeDtypeStruct((n, c), jnp.float32) for c in out_cols]
    single = len(out_cols) == 1
    res = pl.pallas_call(
        body,
        grid=grid,
        in_specs=in_specs,
        out_specs=out_specs[0] if single else out_specs,
        out_shape=out_shape[0] if single else out_shape,
    )(*[a for (a, _, _) in blocked], *weights)
    return res


def kernel(x, edge_index, edge_attr, params):
    N = x.shape[0]
    E = edge_index.shape[1]
    BN = 2000 if N % 2000 == 0 else N
    BE = 2000 if E % 2000 == 0 else E
    send = edge_index[0]
    recv = edge_index[1]

    W1, b1 = params['fc1']
    W2, b2 = params['fc2']
    We1, be1 = params['efc1']
    We2, be2 = params['efc2']
    Wem1, bem1 = params['em1']
    Wem2, bem2 = params['em2']
    Wnm1a, bnm1a = params['nm1a']
    Wnm1b, bnm1b = params['nm1b']
    Wnm2a, bnm2a = params['nm2a']
    Wnm2b, bnm2b = params['nm2b']
    W3, b3 = params['fc3']
    W4, b4 = params['fc4']
    W5, b5 = params['fc5']

    A, B, C1, C2 = Wem1[0:128], Wem1[128:256], Wem1[256:320], Wem1[320:384]
    D, F = Wnm1a[0:128], Wnm1a[128:192]
    Wsd = jnp.concatenate([A, D], axis=1)
    G, H = Wnm2a[0:128], Wnm2a[128:192]

    W1p = jnp.zeros((8, EMB), jnp.float32).at[:W1.shape[0]].set(W1)
    xp = jnp.zeros((N, 8), jnp.float32).at[:, :x.shape[1]].set(x)
    We1p = jnp.zeros((8, EMB), jnp.float32).at[:We1.shape[0]].set(We1)
    eap = jnp.zeros((E, 8), jnp.float32).at[:, :edge_attr.shape[1]].set(edge_attr)
    W5p = jnp.zeros((W5.shape[0], 8), jnp.float32).at[:, :1].set(W5)
    b5p = jnp.zeros((1, 8), jnp.float32).at[0, 0].set(b5[0])

    def r1(v):
        return v.reshape(1, -1)

    h2 = _row_call(_encode_nodes_body, N, BN, [(xp, 8, 0)],
                   [W1p, r1(b1), W2, r1(b2)], [2 * EMB])
    ea = _row_call(_encode_edges_body, E, BE, [(eap, 8, 0)],
                   [We1p, r1(be1), We2, r1(be2), C2, r1(bem1)],
                   [2 * EMB])

    zrows = jnp.zeros((8576, EMB), jnp.float32)
    r_ids = jnp.arange(_NC * _NPASS, dtype=jnp.int32)[:, None]
    loc = jnp.where(recv[None, :] // _RNG_N == r_ids,
                    recv[None, :] - r_ids * _RNG_N, _RNG_N)
    loc = loc.astype(jnp.int32).reshape(-1)

    def layer(carry, _):
        h2, ea = carry
        ps, pd = _row_call(_proj_body, N, BN, [(h2, 2 * EMB, 0)],
                           [Wsd, B], [2 * EMB, 2 * EMB])
        gs, gd = _sc_gather(ps, pd, send, recv)
        ea2, m = _row_call(
            _edge_mlp_body, E, BE,
            [(gs, 2 * EMB, 0), (gd, 2 * EMB, 0), (ea, 2 * EMB, 0)],
            [C1, Wem2, r1(bem2), F, r1(bnm1a), Wnm1b, r1(bnm1b)],
            [2 * EMB, EMB])
        agg = jax.ops.segment_sum(m, recv, num_segments=N)
        h2n = _row_call(_node_update_body, N, BN,
                        [(h2, 2 * EMB, 0), (agg, EMB, 0)],
                        [G, H, r1(bnm2a), Wnm2b, r1(bnm2b)], [2 * EMB])
        return (h2n, ea2), None

    (h2, ea), _ = lax.scan(layer, (h2, ea), None, length=3)

    out8 = _row_call(_decoder_body, N, BN, [(h2, 2 * EMB, 0)],
                     [W3, r1(b3), W4, r1(b4), W5p, b5p], [8])
    return out8[:, :1]

# --- scband reference (transcript-rebuilt; emitter-appended) ---
"""Pipeline reference for scband-interaction-network-48928267436355 (READ-ONLY COPY).

The authoritative reference and input builder live on the scoring server;
editing this copy changes nothing except your own understanding.
"""

import jax, jax.numpy as jnp
import numpy as np

N = 50000
E = 800000
NODE_DIM = 3
EDGE_DIM = 2
EMB = 64
MLP = 256
MP_LAYERS = 3


def _lin_params(key, fan_in, fan_out):
    k1, k2 = jax.random.split(key)
    lim = 1.0 / np.sqrt(fan_in)
    W = jax.random.uniform(k1, (fan_in, fan_out), minval=-lim, maxval=lim, dtype=jnp.float32)
    b = jax.random.uniform(k2, (fan_out,), minval=-lim, maxval=lim, dtype=jnp.float32)
    return (W, b)


def setup_inputs(seed: int = 0):
    key = jax.random.key(seed)
    ks = jax.random.split(key, 4)
    x = jax.random.normal(ks[0], (N, NODE_DIM), dtype=jnp.float32)
    edge_index = jax.random.randint(ks[1], (2, E), 0, N, dtype=jnp.int32)
    edge_attr = jax.random.normal(ks[2], (E, EDGE_DIM), dtype=jnp.float32)
    pk = jax.random.split(ks[3], 13)
    params = {
        'fc1': _lin_params(pk[0], NODE_DIM, EMB),
        'fc2': _lin_params(pk[1], EMB, EMB),
        'efc1': _lin_params(pk[2], EDGE_DIM, EMB),
        'efc2': _lin_params(pk[3], EMB, EMB),
        'em1': _lin_params(pk[4], 6 * EMB, EMB),
        'em2': _lin_params(pk[5], EMB, EMB),
        'nm1a': _lin_params(pk[6], 3 * EMB, EMB),
        'nm1b': _lin_params(pk[7], EMB, EMB),
        'nm2a': _lin_params(pk[8], 3 * EMB, EMB),
        'nm2b': _lin_params(pk[9], EMB, EMB),
        'fc3': _lin_params(pk[10], EMB, MLP),
        'fc4': _lin_params(pk[11], MLP, MLP),
        'fc5': _lin_params(pk[12], MLP, 1),
    }
    return {'x': x, 'edge_index': edge_index, 'edge_attr': edge_attr, 'params': params}


def _lin(p, h):
    return h @ p[0] + p[1]


def _forward(x, edge_attr, params, edge_index):
    relu = jax.nn.relu
    # encoder (dropout is identity in eval mode)
    h = relu(_lin(params['fc1'], x))
    h = relu(_lin(params['fc2'], h))
    ea = relu(_lin(params['efc1'], edge_attr))
    ea = relu(_lin(params['efc2'], ea))
    save_x = h
    save_ea = ea
    send = edge_index[0]
    recv = edge_index[1]
    for _ in range(MP_LAYERS):
        h2 = jnp.concatenate([h, save_x], axis=1)          # [N, 2*EMB]
        ea2 = jnp.concatenate([ea, save_ea], axis=1)       # [E, 2*EMB]
        # EdgeModel: cat([src, dest, edge_attr]) -> MLP
        src = h2[send]
        dst = h2[recv]
        e_in = jnp.concatenate([src, dst, ea2], axis=1)    # [E, 6*EMB]
        ea = relu(_lin(params['em1'], e_in))
        ea = relu(_lin(params['em2'], ea))                 # [E, EMB]
        # NodeModel: cat([x[senders], edge_attr]) -> MLP1 -> scatter_add -> cat -> MLP2
        n_in = jnp.concatenate([src, ea], axis=1)          # [E, 3*EMB]
        m = relu(_lin(params['nm1a'], n_in))
        m = relu(_lin(params['nm1b'], m))                  # [E, EMB]
        agg = jax.ops.segment_sum(m, recv, num_segments=N) # [N, EMB]
        h = jnp.concatenate([h2, agg], axis=1)             # [N, 3*EMB]
        h = relu(_lin(params['nm2a'], h))
        h = relu(_lin(params['nm2b'], h))                  # [N, EMB]
    out = relu(_lin(params['fc3'], h))
    out = relu(_lin(params['fc4'], out))
    out = _lin(params['fc5'], out)                          # [N, 1]
    return out


def reference(x, edge_index, edge_attr, params):
    return _forward(x, edge_attr, params, edge_index)

if __name__ == "__main__":
    import jax
    _d = setup_inputs()
    print(jax.jit(kernel)(*tuple(_d.values())))

</pallas_src>

<mosaic_0001>
#map = affine_map<(d0, d1) -> (0, 0)>
#map1 = affine_map<(d0, d1) -> (0)>
module attributes {stable_mosaic.version = 14 : i64} {
  func.func @k(%arg0: i32, %arg1: i32, %arg2: memref<50000x128xf32, #tpu.memory_space<hbm>>, %arg3: memref<50000x128xf32, #tpu.memory_space<hbm>>, %arg4: memref<800000xi32, #tpu.memory_space<hbm>>, %arg5: memref<800000xi32, #tpu.memory_space<hbm>>, %arg6: memref<800000x128xf32, #tpu.memory_space<hbm>>, %arg7: memref<800000x128xf32, #tpu.memory_space<hbm>>, %arg8: memref<1x128xi32, #tpu.memory_space<vmem>>, %arg9: memref<1x128xi32, #tpu.memory_space<vmem>>, %arg10: memref<128x128xf32, #tpu.memory_space<vmem>>, %arg11: memref<128x128xf32, #tpu.memory_space<vmem>>, %arg12: memref<!tpu.dma_semaphore, #tpu.memory_space<semaphore_mem>>) attributes {dimension_semantics = [#tpu.dimension_semantics<core_parallel>, #tpu.dimension_semantics<subcore_parallel>], iteration_bounds = array<i64: 2, 16>, scalar_prefetch = 0 : i64, scratch_operands = 5 : i64, tpu.core_type = #tpu.core_type<sc_vector_subcore>, window_params = [{transform_indices = #map}, {transform_indices = #map}, {transform_indices = #map1}, {transform_indices = #map1}, {transform_indices = #map}, {transform_indices = #map}]} {
    %mul3A = arith.constant 2 : i32
    %mul3A_0 = arith.muli %arg1, %mul3A : i32
    %add3A = arith.addi %mul3A_0, %arg0 : i32
    %lt3A = arith.constant 10 : i32
    %lt3A_1 = arith.cmpi slt, %add3A, %lt3A : i32
    %jit3A = arith.constant 196 : i32
    %jit3A_2 = arith.constant 195 : i32
    %select_n3A = arith.select %lt3A_1, %jit3A, %jit3A_2 : i32
    %while3A = arith.constant 0 : i32
    %while3A_3 = arith.constant 0 : i32
    %while3A_4 = arith.subi %select_n3A, %while3A_3 : i32
    %while3A_5 = arith.addi %while3A_3, %while3A_4 : i32
    %while3A_6 = arith.constant 1 : i32
    %while3A_7 = arith.divsi %while3A_4, %while3A_6 : i32
    %while3A_8 = arith.muli %while3A_7, %while3A_6 : i32
    %while3A_9 = arith.addi %while3A_3, %while3A_8 : i32
    %while3A_10 = arith.constant 1 : i32
    scf.for %while3A_12 = %while3A_3 to %while3A_9 step %while3A_10  : i32 {
      %mul3A_13 = arith.constant 32 : i32
      %mul3A_14 = arith.muli %while3A_12, %mul3A_13 : i32
      %add3A_15 = arith.addi %add3A, %mul3A_14 : i32
      %mul3A_16 = arith.constant 128 : i32
      %mul3A_17 = arith.muli %add3A_15, %mul3A_16 : i32
      %run_scoped3A = arith.constant 0 : i32
      "tpu.region"() ({
        %run_scoped3A_45 = tpu.sem_alloc : memref<!tpu.dma_semaphore, #tpu.memory_space<semaphore_mem>>
        %dma_start3A_46 = arith.constant 0 : i32
        %dma_start3A_47 = tpu.memref_slice %arg8[%run_scoped3A, %dma_start3A_46] : memref<1x128xi32, #tpu.memory_space<vmem>> -> memref<1x128xi32, #tpu.memory_space<vmem>>
        %dma_start3A_48 = tpu.memref_squeeze %dma_start3A_47 : memref<1x128xi32, #tpu.memory_space<vmem>> -> memref<128xi32, #tpu.memory_space<vmem>>
        %dma_start3A_49 = tpu.memref_slice %arg4[%mul3A_17] : memref<800000xi32, #tpu.memory_space<hbm>> -> memref<128xi32, #tpu.memory_space<hbm>>
        %dma_start3A_50 = arith.constant 0 : i32
        %dma_start3A_51 = tpu.memref_slice %arg8[%run_scoped3A, %dma_start3A_50] : memref<1x128xi32, #tpu.memory_space<vmem>> -> memref<1x128xi32, #tpu.memory_space<vmem>>
        %dma_start3A_52 = tpu.memref_squeeze %dma_start3A_51 : memref<1x128xi32, #tpu.memory_space<vmem>> -> memref<128xi32, #tpu.memory_space<vmem>>
        %dma_start3A_53 = tpu.memref_slice %arg4[%mul3A_17] : memref<800000xi32, #tpu.memory_space<hbm>> -> memref<128xi32, #tpu.memory_space<hbm>>
        tpu.enqueue_dma source(%dma_start3A_53 : memref<128xi32, #tpu.memory_space<hbm>>) target(%dma_start3A_52 : memref<128xi32, #tpu.memory_space<vmem>>) target_semaphore(%run_scoped3A_45 : memref<!tpu.dma_semaphore, #tpu.memory_space<semaphore_mem>>)
        %dma_wait3A_54 = arith.constant 0 : i32
        %dma_wait3A_55 = tpu.memref_slice %arg8[%run_scoped3A, %dma_wait3A_54] : memref<1x128xi32, #tpu.memory_space<vmem>> -> memref<1x128xi32, #tpu.memory_space<vmem>>
        %dma_wait3A_56 = tpu.memref_squeeze %dma_wait3A_55 : memref<1x128xi32, #tpu.memory_space<vmem>> -> memref<128xi32, #tpu.memory_space<vmem>>
        %dma_wait3A_57 = tpu.memref_slice %arg4[%mul3A_17] : memref<800000xi32, #tpu.memory_space<hbm>> -> memref<128xi32, #tpu.memory_space<hbm>>
        %dma_wait3A_58 = arith.constant 0 : i32
        %dma_wait3A_59 = tpu.memref_slice %arg8[%run_scoped3A, %dma_wait3A_58] : memref<1x128xi32, #tpu.memory_space<vmem>> -> memref<1x128xi32, #tpu.memory_space<vmem>>
        %dma_wait3A_60 = tpu.memref_squeeze %dma_wait3A_59 : memref<1x128xi32, #tpu.memory_space<vmem>> -> memref<128xi32, #tpu.memory_space<vmem>>
        %dma_wait3A_61 = tpu.memref_slice %arg4[%mul3A_17] : memref<800000xi32, #tpu.memory_space<hbm>> -> memref<128xi32, #tpu.memory_space<hbm>>
        tpu.wait_dma2 semaphore(%run_scoped3A_45 : memref<!tpu.dma_semaphore, #tpu.memory_space<semaphore_mem>>) src(%dma_wait3A_61 : memref<128xi32, #tpu.memory_space<hbm>>) dst(%dma_wait3A_60 : memref<128xi32, #tpu.memory_space<vmem>>)
        tpu.yield
      }) : () -> ()
      %run_scoped3A_18 = arith.constant 0 : i32
      "tpu.region"() ({
        %run_scoped3A_45 = tpu.sem_alloc : memref<!tpu.dma_semaphore, #tpu.memory_space<semaphore_mem>>
        %dma_start3A_46 = arith.constant 0 : i32
        %dma_start3A_47 = tpu.memref_slice %arg9[%run_scoped3A_18, %dma_start3A_46] : memref<1x128xi32, #tpu.memory_space<vmem>> -> memref<1x128xi32, #tpu.memory_space<vmem>>
        %dma_start3A_48 = tpu.memref_squeeze %dma_start3A_47 : memref<1x128xi32, #tpu.memory_space<vmem>> -> memref<128xi32, #tpu.memory_space<vmem>>
        %dma_start3A_49 = tpu.memref_slice %arg5[%mul3A_17] : memref<800000xi32, #tpu.memory_space<hbm>> -> memref<128xi32, #tpu.memory_space<hbm>>
        %dma_start3A_50 = arith.constant 0 : i32
        %dma_start3A_51 = tpu.memref_slice %arg9[%run_scoped3A_18, %dma_start3A_50] : memref<1x128xi32, #tpu.memory_space<vmem>> -> memref<1x128xi32, #tpu.memory_space<vmem>>
        %dma_start3A_52 = tpu.memref_squeeze %dma_start3A_51 : memref<1x128xi32, #tpu.memory_space<vmem>> -> memref<128xi32, #tpu.memory_space<vmem>>
        %dma_start3A_53 = tpu.memref_slice %arg5[%mul3A_17] : memref<800000xi32, #tpu.memory_space<hbm>> -> memref<128xi32, #tpu.memory_space<hbm>>
        tpu.enqueue_dma source(%dma_start3A_53 : memref<128xi32, #tpu.memory_space<hbm>>) target(%dma_start3A_52 : memref<128xi32, #tpu.memory_space<vmem>>) target_semaphore(%run_scoped3A_45 : memref<!tpu.dma_semaphore, #tpu.memory_space<semaphore_mem>>)
        %dma_wait3A_54 = arith.constant 0 : i32
        %dma_wait3A_55 = tpu.memref_slice %arg9[%run_scoped3A_18, %dma_wait3A_54] : memref<1x128xi32, #tpu.memory_space<vmem>> -> memref<1x128xi32, #tpu.memory_space<vmem>>
        %dma_wait3A_56 = tpu.memref_squeeze %dma_wait3A_55 : memref<1x128xi32, #tpu.memory_space<vmem>> -> memref<128xi32, #tpu.memory_space<vmem>>
        %dma_wait3A_57 = tpu.memref_slice %arg5[%mul3A_17] : memref<800000xi32, #tpu.memory_space<hbm>> -> memref<128xi32, #tpu.memory_space<hbm>>
        %dma_wait3A_58 = arith.constant 0 : i32
        %dma_wait3A_59 = tpu.memref_slice %arg9[%run_scoped3A_18, %dma_wait3A_58] : memref<1x128xi32, #tpu.memory_space<vmem>> -> memref<1x128xi32, #tpu.memory_space<vmem>>
        %dma_wait3A_60 = tpu.memref_squeeze %dma_wait3A_59 : memref<1x128xi32, #tpu.memory_space<vmem>> -> memref<128xi32, #tpu.memory_space<vmem>>
        %dma_wait3A_61 = tpu.memref_slice %arg5[%mul3A_17] : memref<800000xi32, #tpu.memory_space<hbm>> -> memref<128xi32, #tpu.memory_space<hbm>>
        tpu.wait_dma2 semaphore(%run_scoped3A_45 : memref<!tpu.dma_semaphore, #tpu.memory_space<semaphore_mem>>) src(%dma_wait3A_61 : memref<128xi32, #tpu.memory_space<hbm>>) dst(%dma_wait3A_60 : memref<128xi32, #tpu.memory_space<vmem>>)
        tpu.yield
      }) : () -> ()
      %dma_start3A = arith.constant 0 : i32
      %dma_start3A_19 = arith.constant 0 : i32
      %dma_start3A_20 = tpu.memref_slice %arg8[%dma_start3A, %dma_start3A_19] : memref<1x128xi32, #tpu.memory_space<vmem>> -> memref<1x128xi32, #tpu.memory_space<vmem>>
      %dma_start3A_21 = tpu.memref_squeeze %dma_start3A_20 : memref<1x128xi32, #tpu.memory_space<vmem>> -> memref<128xi32, #tpu.memory_space<vmem>>
      %dma_start3A_22 = arith.constant 0 : i32
      %dma_start3A_23 = arith.constant 0 : i32
      %dma_start3A_24 = tpu.memref_slice %arg2[%dma_start3A_22, %dma_start3A_23] : memref<50000x128xf32, #tpu.memory_space<hbm>> -> memref<50000x128xf32, #tpu.memory_space<hbm>>
      tpu.enqueue_indirect_dma source(%dma_start3A_24 : memref<50000x128xf32, #tpu.memory_space<hbm>>) target(%arg10 : memref<128x128xf32, #tpu.memory_space<vmem>>) offsets(%dma_start3A_21 : memref<128xi32, #tpu.memory_space<vmem>>) semaphore(%arg12 : memref<!tpu.dma_semaphore, #tpu.memory_space<semaphore_mem>>)
      %dma_wait3A = arith.constant 0 : i32
      %dma_wait3A_25 = arith.constant 0 : i32
      %dma_wait3A_26 = tpu.memref_slice %arg8[%dma_wait3A, %dma_wait3A_25] : memref<1x128xi32, #tpu.memory_space<vmem>> -> memref<1x128xi32, #tpu.memory_space<vmem>>
      %dma_wait3A_27 = tpu.memref_squeeze %dma_wait3A_26 : memref<1x128xi32, #tpu.memory_space<vmem>> -> memref<128xi32, #tpu.memory_space<vmem>>
      %dma_wait3A_28 = arith.constant 0 : i32
      %dma_wait3A_29 = arith.constant 0 : i32
      %dma_wait3A_30 = tpu.memref_slice %arg2[%dma_wait3A_28, %dma_wait3A_29] : memref<50000x128xf32, #tpu.memory_space<hbm>> -> memref<50000x128xf32, #tpu.memory_space<hbm>>
      tpu.wait_indirect_dma semaphore(%arg12 : memref<!tpu.dma_semaphore, #tpu.memory_space<semaphore_mem>>) src(%dma_wait3A_30 : memref<50000x128xf32, #tpu.memory_space<hbm>>) dst(%arg10 : memref<128x128xf32, #tpu.memory_space<vmem>>)
      %dma_start3A_31 = arith.constant 0 : i32
      %dma_start3A_32 = arith.constant 0 : i32
      %dma_start3A_33 = tpu.memref_slice %arg9[%dma_start3A_31, %dma_start3A_32] : memref<1x128xi32, #tpu.memory_space<vmem>> -> memref<1x128xi32, #tpu.memory_space<vmem>>
      %dma_start3A_34 = tpu.memref_squeeze %dma_start3A_33 : memref<1x128xi32, #tpu.memory_space<vmem>> -> memref<128xi32, #tpu.memory_space<vmem>>
      %dma_start3A_35 = arith.constant 0 : i32
      %dma_start3A_36 = arith.constant 0 : i32
      %dma_start3A_37 = tpu.memref_slice %arg3[%dma_start3A_35, %dma_start3A_36] : memref<50000x128xf32, #tpu.memory_space<hbm>> -> memref<50000x128xf32, #tpu.memory_space<hbm>>
      tpu.enqueue_indirect_dma source(%dma_start3A_37 : memref<50000x128xf32, #tpu.memory_space<hbm>>) target(%arg11 : memref<128x128xf32, #tpu.memory_space<vmem>>) offsets(%dma_start3A_34 : memref<128xi32, #tpu.memory_space<vmem>>) semaphore(%arg12 : memref<!tpu.dma_semaphore, #tpu.memory_space<semaphore_mem>>)
      %dma_wait3A_38 = arith.constant 0 : i32
      %dma_wait3A_39 = arith.constant 0 : i32
      %dma_wait3A_40 = tpu.memref_slice %arg9[%dma_wait3A_38, %dma_wait3A_39] : memref<1x128xi32, #tpu.memory_space<vmem>> -> memref<1x128xi32, #tpu.memory_space<vmem>>
      %dma_wait3A_41 = tpu.memref_squeeze %dma_wait3A_40 : memref<1x128xi32, #tpu.memory_space<vmem>> -> memref<128xi32, #tpu.memory_space<vmem>>
      %dma_wait3A_42 = arith.constant 0 : i32
      %dma_wait3A_43 = arith.constant 0 : i32
      %dma_wait3A_44 = tpu.memref_slice %arg3[%dma_wait3A_42, %dma_wait3A_43] : memref<50000x128xf32, #tpu.memory_space<hbm>> -> memref<50000x128xf32, #tpu.memory_space<hbm>>
      tpu.wait_indirect_dma semaphore(%arg12 : memref<!tpu.dma_semaphore, #tpu.memory_space<semaphore_mem>>) src(%dma_wait3A_44 : memref<50000x128xf32, #tpu.memory_space<hbm>>) dst(%arg11 : memref<128x128xf32, #tpu.memory_space<vmem>>)
      "tpu.region"() ({
        %run_scoped3A_45 = tpu.sem_alloc : memref<!tpu.dma_semaphore, #tpu.memory_space<semaphore_mem>>
        %dma_start3A_46 = arith.constant 0 : i32
        %dma_start3A_47 = tpu.memref_slice %arg6[%mul3A_17, %dma_start3A_46] : memref<800000x128xf32, #tpu.memory_space<hbm>> -> memref<128x128xf32, #tpu.memory_space<hbm>>
        %dma_start3A_48 = arith.constant 0 : i32
        %dma_start3A_49 = tpu.memref_slice %arg6[%mul3A_17, %dma_start3A_48] : memref<800000x128xf32, #tpu.memory_space<hbm>> -> memref<128x128xf32, #tpu.memory_space<hbm>>
        tpu.enqueue_dma source(%arg10 : memref<128x128xf32, #tpu.memory_space<vmem>>) target(%dma_start3A_49 : memref<128x128xf32, #tpu.memory_space<hbm>>) target_semaphore(%run_scoped3A_45 : memref<!tpu.dma_semaphore, #tpu.memory_space<semaphore_mem>>)
        %dma_wait3A_50 = arith.constant 0 : i32
        %dma_wait3A_51 = tpu.memref_slice %arg6[%mul3A_17, %dma_wait3A_50] : memref<800000x128xf32, #tpu.memory_space<hbm>> -> memref<128x128xf32, #tpu.memory_space<hbm>>
        %dma_wait3A_52 = arith.constant 0 : i32
        %dma_wait3A_53 = tpu.memref_slice %arg6[%mul3A_17, %dma_wait3A_52] : memref<800000x128xf32, #tpu.memory_space<hbm>> -> memref<128x128xf32, #tpu.memory_space<hbm>>
        tpu.wait_dma2 semaphore(%run_scoped3A_45 : memref<!tpu.dma_semaphore, #tpu.memory_space<semaphore_mem>>) src(%arg10 : memref<128x128xf32, #tpu.memory_space<vmem>>) dst(%dma_wait3A_53 : memref<128x128xf32, #tpu.memory_space<hbm>>)
        tpu.yield
      }) : () -> ()
      "tpu.region"() ({
        %run_scoped3A_45 = tpu.sem_alloc : memref<!tpu.dma_semaphore, #tpu.memory_space<semaphore_mem>>
        %dma_start3A_46 = arith.constant 0 : i32
        %dma_start3A_47 = tpu.memref_slice %arg7[%mul3A_17, %dma_start3A_46] : memref<800000x128xf32, #tpu.memory_space<hbm>> -> memref<128x128xf32, #tpu.memory_space<hbm>>
        %dma_start3A_48 = arith.constant 0 : i32
        %dma_start3A_49 = tpu.memref_slice %arg7[%mul3A_17, %dma_start3A_48] : memref<800000x128xf32, #tpu.memory_space<hbm>> -> memref<128x128xf32, #tpu.memory_space<hbm>>
        tpu.enqueue_dma source(%arg11 : memref<128x128xf32, #tpu.memory_space<vmem>>) target(%dma_start3A_49 : memref<128x128xf32, #tpu.memory_space<hbm>>) target_semaphore(%run_scoped3A_45 : memref<!tpu.dma_semaphore, #tpu.memory_space<semaphore_mem>>)
        %dma_wait3A_50 = arith.constant 0 : i32
        %dma_wait3A_51 = tpu.memref_slice %arg7[%mul3A_17, %dma_wait3A_50] : memref<800000x128xf32, #tpu.memory_space<hbm>> -> memref<128x128xf32, #tpu.memory_space<hbm>>
        %dma_wait3A_52 = arith.constant 0 : i32
        %dma_wait3A_53 = tpu.memref_slice %arg7[%mul3A_17, %dma_wait3A_52] : memref<800000x128xf32, #tpu.memory_space<hbm>> -> memref<128x128xf32, #tpu.memory_space<hbm>>
        tpu.wait_dma2 semaphore(%run_scoped3A_45 : memref<!tpu.dma_semaphore, #tpu.memory_space<semaphore_mem>>) src(%arg11 : memref<128x128xf32, #tpu.memory_space<vmem>>) dst(%dma_wait3A_53 : memref<128x128xf32, #tpu.memory_space<hbm>>)
        tpu.yield
      }) : () -> ()
    }
    %while3A_11 = arith.constant 1 : i32
    scf.for %while3A_12 = %while3A_9 to %while3A_5 step %while3A_11  : i32 {
      %mul3A_13 = arith.constant 32 : i32
      %mul3A_14 = arith.muli %while3A_12, %mul3A_13 : i32
      %add3A_15 = arith.addi %add3A, %mul3A_14 : i32
      %mul3A_16 = arith.constant 128 : i32
      %mul3A_17 = arith.muli %add3A_15, %mul3A_16 : i32
      %run_scoped3A = arith.constant 0 : i32
      "tpu.region"() ({
        %run_scoped3A_45 = tpu.sem_alloc : memref<!tpu.dma_semaphore, #tpu.memory_space<semaphore_mem>>
        %dma_start3A_46 = arith.constant 0 : i32
        %dma_start3A_47 = tpu.memref_slice %arg8[%run_scoped3A, %dma_start3A_46] : memref<1x128xi32, #tpu.memory_space<vmem>> -> memref<1x128xi32, #tpu.memory_space<vmem>>
        %dma_start3A_48 = tpu.memref_squeeze %dma_start3A_47 : memref<1x128xi32, #tpu.memory_space<vmem>> -> memref<128xi32, #tpu.memory_space<vmem>>
        %dma_start3A_49 = tpu.memref_slice %arg4[%mul3A_17] : memref<800000xi32, #tpu.memory_space<hbm>> -> memref<128xi32, #tpu.memory_space<hbm>>
        %dma_start3A_50 = arith.constant 0 : i32
        %dma_start3A_51 = tpu.memref_slice %arg8[%run_scoped3A, %dma_start3A_50] : memref<1x128xi32, #tpu.memory_space<vmem>> -> memref<1x128xi32, #tpu.memory_space<vmem>>
        %dma_start3A_52 = tpu.memref_squeeze %dma_start3A_51 : memref<1x128xi32, #tpu.memory_space<vmem>> -> memref<128xi32, #tpu.memory_space<vmem>>
        %dma_start3A_53 = tpu.memref_slice %arg4[%mul3A_17] : memref<800000xi32, #tpu.memory_space<hbm>> -> memref<128xi32, #tpu.memory_space<hbm>>
        tpu.enqueue_dma source(%dma_start3A_53 : memref<128xi32, #tpu.memory_space<hbm>>) target(%dma_start3A_52 : memref<128xi32, #tpu.memory_space<vmem>>) target_semaphore(%run_scoped3A_45 : memref<!tpu.dma_semaphore, #tpu.memory_space<semaphore_mem>>)
        %dma_wait3A_54 = arith.constant 0 : i32
        %dma_wait3A_55 = tpu.memref_slice %arg8[%run_scoped3A, %dma_wait3A_54] : memref<1x128xi32, #tpu.memory_space<vmem>> -> memref<1x128xi32, #tpu.memory_space<vmem>>
        %dma_wait3A_56 = tpu.memref_squeeze %dma_wait3A_55 : memref<1x128xi32, #tpu.memory_space<vmem>> -> memref<128xi32, #tpu.memory_space<vmem>>
        %dma_wait3A_57 = tpu.memref_slice %arg4[%mul3A_17] : memref<800000xi32, #tpu.memory_space<hbm>> -> memref<128xi32, #tpu.memory_space<hbm>>
        %dma_wait3A_58 = arith.constant 0 : i32
        %dma_wait3A_59 = tpu.memref_slice %arg8[%run_scoped3A, %dma_wait3A_58] : memref<1x128xi32, #tpu.memory_space<vmem>> -> memref<1x128xi32, #tpu.memory_space<vmem>>
        %dma_wait3A_60 = tpu.memref_squeeze %dma_wait3A_59 : memref<1x128xi32, #tpu.memory_space<vmem>> -> memref<128xi32, #tpu.memory_space<vmem>>
        %dma_wait3A_61 = tpu.memref_slice %arg4[%mul3A_17] : memref<800000xi32, #tpu.memory_space<hbm>> -> memref<128xi32, #tpu.memory_space<hbm>>
        tpu.wait_dma2 semaphore(%run_scoped3A_45 : memref<!tpu.dma_semaphore, #tpu.memory_space<semaphore_mem>>) src(%dma_wait3A_61 : memref<128xi32, #tpu.memory_space<hbm>>) dst(%dma_wait3A_60 : memref<128xi32, #tpu.memory_space<vmem>>)
        tpu.yield
      }) : () -> ()
      %run_scoped3A_18 = arith.constant 0 : i32
      "tpu.region"() ({
        %run_scoped3A_45 = tpu.sem_alloc : memref<!tpu.dma_semaphore, #tpu.memory_space<semaphore_mem>>
        %dma_start3A_46 = arith.constant 0 : i32
        %dma_start3A_47 = tpu.memref_slice %arg9[%run_scoped3A_18, %dma_start3A_46] : memref<1x128xi32, #tpu.memory_space<vmem>> -> memref<1x128xi32, #tpu.memory_space<vmem>>
        %dma_start3A_48 = tpu.memref_squeeze %dma_start3A_47 : memref<1x128xi32, #tpu.memory_space<vmem>> -> memref<128xi32, #tpu.memory_space<vmem>>
        %dma_start3A_49 = tpu.memref_slice %arg5[%mul3A_17] : memref<800000xi32, #tpu.memory_space<hbm>> -> memref<128xi32, #tpu.memory_space<hbm>>
        %dma_start3A_50 = arith.constant 0 : i32
        %dma_start3A_51 = tpu.memref_slice %arg9[%run_scoped3A_18, %dma_start3A_50] : memref<1x128xi32, #tpu.memory_space<vmem>> -> memref<1x128xi32, #tpu.memory_space<vmem>>
        %dma_start3A_52 = tpu.memref_squeeze %dma_start3A_51 : memref<1x128xi32, #tpu.memory_space<vmem>> -> memref<128xi32, #tpu.memory_space<vmem>>
        %dma_start3A_53 = tpu.memref_slice %arg5[%mul3A_17] : memref<800000xi32, #tpu.memory_space<hbm>> -> memref<128xi32, #tpu.memory_space<hbm>>
        tpu.enqueue_dma source(%dma_start3A_53 : memref<128xi32, #tpu.memory_space<hbm>>) target(%dma_start3A_52 : memref<128xi32, #tpu.memory_space<vmem>>) target_semaphore(%run_scoped3A_45 : memref<!tpu.dma_semaphore, #tpu.memory_space<semaphore_mem>>)
        %dma_wait3A_54 = arith.constant 0 : i32
        %dma_wait3A_55 = tpu.memref_slice %arg9[%run_scoped3A_18, %dma_wait3A_54] : memref<1x128xi32, #tpu.memory_space<vmem>> -> memref<1x128xi32, #tpu.memory_space<vmem>>
        %dma_wait3A_56 = tpu.memref_squeeze %dma_wait3A_55 : memref<1x128xi32, #tpu.memory_space<vmem>> -> memref<128xi32, #tpu.memory_space<vmem>>
        %dma_wait3A_57 = tpu.memref_slice %arg5[%mul3A_17] : memref<800000xi32, #tpu.memory_space<hbm>> -> memref<128xi32, #tpu.memory_space<hbm>>
        %dma_wait3A_58 = arith.constant 0 : i32
        %dma_wait3A_59 = tpu.memref_slice %arg9[%run_scoped3A_18, %dma_wait3A_58] : memref<1x128xi32, #tpu.memory_space<vmem>> -> memref<1x128xi32, #tpu.memory_space<vmem>>
        %dma_wait3A_60 = tpu.memref_squeeze %dma_wait3A_59 : memref<1x128xi32, #tpu.memory_space<vmem>> -> memref<128xi32, #tpu.memory_space<vmem>>
        %dma_wait3A_61 = tpu.memref_slice %arg5[%mul3A_17] : memref<800000xi32, #tpu.memory_space<hbm>> -> memref<128xi32, #tpu.memory_space<hbm>>
        tpu.wait_dma2 semaphore(%run_scoped3A_45 : memref<!tpu.dma_semaphore, #tpu.memory_space<semaphore_mem>>) src(%dma_wait3A_61 : memref<128xi32, #tpu.memory_space<hbm>>) dst(%dma_wait3A_60 : memref<128xi32, #tpu.memory_space<vmem>>)
        tpu.yield
      }) : () -> ()
      %dma_start3A = arith.constant 0 : i32
      %dma_start3A_19 = arith.constant 0 : i32
      %dma_start3A_20 = tpu.memref_slice %arg8[%dma_start3A, %dma_start3A_19] : memref<1x128xi32, #tpu.memory_space<vmem>> -> memref<1x128xi32, #tpu.memory_space<vmem>>
      %dma_start3A_21 = tpu.memref_squeeze %dma_start3A_20 : memref<1x128xi32, #tpu.memory_space<vmem>> -> memref<128xi32, #tpu.memory_space<vmem>>
      %dma_start3A_22 = arith.constant 0 : i32
      %dma_start3A_23 = arith.constant 0 : i32
      %dma_start3A_24 = tpu.memref_slice %arg2[%dma_start3A_22, %dma_start3A_23] : memref<50000x128xf32, #tpu.memory_space<hbm>> -> memref<50000x128xf32, #tpu.memory_space<hbm>>
      tpu.enqueue_indirect_dma source(%dma_start3A_24 : memref<50000x128xf32, #tpu.memory_space<hbm>>) target(%arg10 : memref<128x128xf32, #tpu.memory_space<vmem>>) offsets(%dma_start3A_21 : memref<128xi32, #tpu.memory_space<vmem>>) semaphore(%arg12 : memref<!tpu.dma_semaphore, #tpu.memory_space<semaphore_mem>>)
      %dma_wait3A = arith.constant 0 : i32
      %dma_wait3A_25 = arith.constant 0 : i32
      %dma_wait3A_26 = tpu.memref_slice %arg8[%dma_wait3A, %dma_wait3A_25] : memref<1x128xi32, #tpu.memory_space<vmem>> -> memref<1x128xi32, #tpu.memory_space<vmem>>
      %dma_wait3A_27 = tpu.memref_squeeze %dma_wait3A_26 : memref<1x128xi32, #tpu.memory_space<vmem>> -> memref<128xi32, #tpu.memory_space<vmem>>
      %dma_wait3A_28 = arith.constant 0 : i32
      %dma_wait3A_29 = arith.constant 0 : i32
      %dma_wait3A_30 = tpu.memref_slice %arg2[%dma_wait3A_28, %dma_wait3A_29] : memref<50000x128xf32, #tpu.memory_space<hbm>> -> memref<50000x128xf32, #tpu.memory_space<hbm>>
      tpu.wait_indirect_dma semaphore(%arg12 : memref<!tpu.dma_semaphore, #tpu.memory_space<semaphore_mem>>) src(%dma_wait3A_30 : memref<50000x128xf32, #tpu.memory_space<hbm>>) dst(%arg10 : memref<128x128xf32, #tpu.memory_space<vmem>>)
      %dma_start3A_31 = arith.constant 0 : i32
      %dma_start3A_32 = arith.constant 0 : i32
      %dma_start3A_33 = tpu.memref_slice %arg9[%dma_start3A_31, %dma_start3A_32] : memref<1x128xi32, #tpu.memory_space<vmem>> -> memref<1x128xi32, #tpu.memory_space<vmem>>
      %dma_start3A_34 = tpu.memref_squeeze %dma_start3A_33 : memref<1x128xi32, #tpu.memory_space<vmem>> -> memref<128xi32, #tpu.memory_space<vmem>>
      %dma_start3A_35 = arith.constant 0 : i32
      %dma_start3A_36 = arith.constant 0 : i32
      %dma_start3A_37 = tpu.memref_slice %arg3[%dma_start3A_35, %dma_start3A_36] : memref<50000x128xf32, #tpu.memory_space<hbm>> -> memref<50000x128xf32, #tpu.memory_space<hbm>>
      tpu.enqueue_indirect_dma source(%dma_start3A_37 : memref<50000x128xf32, #tpu.memory_space<hbm>>) target(%arg11 : memref<128x128xf32, #tpu.memory_space<vmem>>) offsets(%dma_start3A_34 : memref<128xi32, #tpu.memory_space<vmem>>) semaphore(%arg12 : memref<!tpu.dma_semaphore, #tpu.memory_space<semaphore_mem>>)
      %dma_wait3A_38 = arith.constant 0 : i32
      %dma_wait3A_39 = arith.constant 0 : i32
      %dma_wait3A_40 = tpu.memref_slice %arg9[%dma_wait3A_38, %dma_wait3A_39] : memref<1x128xi32, #tpu.memory_space<vmem>> -> memref<1x128xi32, #tpu.memory_space<vmem>>
      %dma_wait3A_41 = tpu.memref_squeeze %dma_wait3A_40 : memref<1x128xi32, #tpu.memory_space<vmem>> -> memref<128xi32, #tpu.memory_space<vmem>>
      %dma_wait3A_42 = arith.constant 0 : i32
      %dma_wait3A_43 = arith.constant 0 : i32
      %dma_wait3A_44 = tpu.memref_slice %arg3[%dma_wait3A_42, %dma_wait3A_43] : memref<50000x128xf32, #tpu.memory_space<hbm>> -> memref<50000x128xf32, #tpu.memory_space<hbm>>
      tpu.wait_indirect_dma semaphore(%arg12 : memref<!tpu.dma_semaphore, #tpu.memory_space<semaphore_mem>>) src(%dma_wait3A_44 : memref<50000x128xf32, #tpu.memory_space<hbm>>) dst(%arg11 : memref<128x128xf32, #tpu.memory_space<vmem>>)
      "tpu.region"() ({
        %run_scoped3A_45 = tpu.sem_alloc : memref<!tpu.dma_semaphore, #tpu.memory_space<semaphore_mem>>
        %dma_start3A_46 = arith.constant 0 : i32
        %dma_start3A_47 = tpu.memref_slice %arg6[%mul3A_17, %dma_start3A_46] : memref<800000x128xf32, #tpu.memory_space<hbm>> -> memref<128x128xf32, #tpu.memory_space<hbm>>
        %dma_start3A_48 = arith.constant 0 : i32
        %dma_start3A_49 = tpu.memref_slice %arg6[%mul3A_17, %dma_start3A_48] : memref<800000x128xf32, #tpu.memory_space<hbm>> -> memref<128x128xf32, #tpu.memory_space<hbm>>
        tpu.enqueue_dma source(%arg10 : memref<128x128xf32, #tpu.memory_space<vmem>>) target(%dma_start3A_49 : memref<128x128xf32, #tpu.memory_space<hbm>>) target_semaphore(%run_scoped3A_45 : memref<!tpu.dma_semaphore, #tpu.memory_space<semaphore_mem>>)
        %dma_wait3A_50 = arith.constant 0 : i32
        %dma_wait3A_51 = tpu.memref_slice %arg6[%mul3A_17, %dma_wait3A_50] : memref<800000x128xf32, #tpu.memory_space<hbm>> -> memref<128x128xf32, #tpu.memory_space<hbm>>
        %dma_wait3A_52 = arith.constant 0 : i32
        %dma_wait3A_53 = tpu.memref_slice %arg6[%mul3A_17, %dma_wait3A_52] : memref<800000x128xf32, #tpu.memory_space<hbm>> -> memref<128x128xf32, #tpu.memory_space<hbm>>
        tpu.wait_dma2 semaphore(%run_scoped3A_45 : memref<!tpu.dma_semaphore, #tpu.memory_space<semaphore_mem>>) src(%arg10 : memref<128x128xf32, #tpu.memory_space<vmem>>) dst(%dma_wait3A_53 : memref<128x128xf32, #tpu.memory_space<hbm>>)
        tpu.yield
      }) : () -> ()
      "tpu.region"() ({
        %run_scoped3A_45 = tpu.sem_alloc : memref<!tpu.dma_semaphore, #tpu.memory_space<semaphore_mem>>
        %dma_start3A_46 = arith.constant 0 : i32
        %dma_start3A_47 = tpu.memref_slice %arg7[%mul3A_17, %dma_start3A_46] : memref<800000x128xf32, #tpu.memory_space<hbm>> -> memref<128x128xf32, #tpu.memory_space<hbm>>
        %dma_start3A_48 = arith.constant 0 : i32
        %dma_start3A_49 = tpu.memref_slice %arg7[%mul3A_17, %dma_start3A_48] : memref<800000x128xf32, #tpu.memory_space<hbm>> -> memref<128x128xf32, #tpu.memory_space<hbm>>
        tpu.enqueue_dma source(%arg11 : memref<128x128xf32, #tpu.memory_space<vmem>>) target(%dma_start3A_49 : memref<128x128xf32, #tpu.memory_space<hbm>>) target_semaphore(%run_scoped3A_45 : memref<!tpu.dma_semaphore, #tpu.memory_space<semaphore_mem>>)
        %dma_wait3A_50 = arith.constant 0 : i32
        %dma_wait3A_51 = tpu.memref_slice %arg7[%mul3A_17, %dma_wait3A_50] : memref<800000x128xf32, #tpu.memory_space<hbm>> -> memref<128x128xf32, #tpu.memory_space<hbm>>
        %dma_wait3A_52 = arith.constant 0 : i32
        %dma_wait3A_53 = tpu.memref_slice %arg7[%mul3A_17, %dma_wait3A_52] : memref<800000x128xf32, #tpu.memory_space<hbm>> -> memref<128x128xf32, #tpu.memory_space<hbm>>
        tpu.wait_dma2 semaphore(%run_scoped3A_45 : memref<!tpu.dma_semaphore, #tpu.memory_space<semaphore_mem>>) src(%arg11 : memref<128x128xf32, #tpu.memory_space<vmem>>) dst(%dma_wait3A_53 : memref<128x128xf32, #tpu.memory_space<hbm>>)
        tpu.yield
      }) : () -> ()
    }
    return
  }
}

module attributes {stable_mosaic.version = 14 : i64} {
  func.func @_encode_edges_body(%arg0: i32, %arg1: memref<2000x8xf32, #tpu.memory_space<vmem>>, %arg2: memref<8x64xf32, #tpu.memory_space<vmem>>, %arg3: memref<1x64xf32, #tpu.memory_space<vmem>>, %arg4: memref<64x64xf32, #tpu.memory_space<vmem>>, %arg5: memref<1x64xf32, #tpu.memory_space<vmem>>, %arg6: memref<64x64xf32, #tpu.memory_space<vmem>>, %arg7: memref<1x64xf32, #tpu.memory_space<vmem>>, %arg8: memref<2000x128xf32, #tpu.memory_space<vmem>>) attributes {dimension_semantics = [#tpu.dimension_semantics<arbitrary>], iteration_bounds = array<i64: 400>, scalar_prefetch = 0 : i64, scratch_operands = 0 : i64, tpu.core_type = #tpu.core_type<tc>, window_params = [{transform_indices = @transform_0, window_bounds = array<i64: 2000, 8>}, {pipeline_mode = #tpu.pipeline_mode<synchronous>, transform_indices = @transform_1, window_bounds = array<i64: 8, 64>}, {pipeline_mode = #tpu.pipeline_mode<synchronous>, transform_indices = @transform_2, window_bounds = array<i64: 1, 64>}, {pipeline_mode = #tpu.pipeline_mode<synchronous>, transform_indices = @transform_3, window_bounds = array<i64: 64, 64>}, {pipeline_mode = #tpu.pipeline_mode<synchronous>, transform_indices = @transform_4, window_bounds = array<i64: 1, 64>}, {pipeline_mode = #tpu.pipeline_mode<synchronous>, transform_indices = @transform_5, window_bounds = array<i64: 64, 64>}, {pipeline_mode = #tpu.pipeline_mode<synchronous>, transform_indices = @transform_6, window_bounds = array<i64: 1, 64>}, {transform_indices = @transform_7, window_bounds = array<i64: 2000, 128>}]} {
    %get3A = arith.constant 0 : index
    %get3A_0 = arith.constant 0 : index
    %get3A_1 = vector.load %arg1[%get3A, %get3A_0] : memref<2000x8xf32, #tpu.memory_space<vmem>>, vector<2000x8xf32>
    %get3A_2 = arith.constant 0 : index
    %get3A_3 = arith.constant 0 : index
    %get3A_4 = vector.load %arg2[%get3A_2, %get3A_3] : memref<8x64xf32, #tpu.memory_space<vmem>>, vector<8x64xf32>
    %dot_general3A = arith.constant dense<0.000000e+00> : vector<2000x64xf32>
    %dot_general3A_5 = tpu.matmul %get3A_1, %get3A_4, %dot_general3A {dimension_numbers = #tpu.dot_dimension_numbers<[1], [0], [0], [1], [0, 0, 1, 1], [], []>, transpose_lhs_hint = false} : vector<2000x8xf32>, vector<8x64xf32>, vector<2000x64xf32> -> vector<2000x64xf32>
    %get3A_6 = arith.constant 0 : index
    %get3A_7 = arith.constant 0 : index
    %get3A_8 = vector.load %arg3[%get3A_6, %get3A_7] : memref<1x64xf32, #tpu.memory_space<vmem>>, vector<1x64xf32>
    %add3A = vector.broadcast %get3A_8 : vector<1x64xf32> to vector<2000x64xf32>
    %add3A_9 = arith.addf %dot_general3A_5, %add3A : vector<2000x64xf32>
    %max3A = arith.constant 0.000000e+00 : f32
    %max3A_10 = vector.broadcast %max3A : f32 to vector<2000x64xf32>
    %max3A_11 = arith.maximumf %add3A_9, %max3A_10 : vector<2000x64xf32>
    %get3A_12 = arith.constant 0 : index
    %get3A_13 = arith.constant 0 : index
    %get3A_14 = vector.load %arg4[%get3A_12, %get3A_13] : memref<64x64xf32, #tpu.memory_space<vmem>>, vector<64x64xf32>
    %dot_general3A_15 = arith.constant dense<0.000000e+00> : vector<2000x64xf32>
    %dot_general3A_16 = tpu.matmul %max3A_11, %get3A_14, %dot_general3A_15 {dimension_numbers = #tpu.dot_dimension_numbers<[1], [0], [0], [1], [0, 0, 1, 1], [], []>, transpose_lhs_hint = false} : vector<2000x64xf32>, vector<64x64xf32>, vector<2000x64xf32> -> vector<2000x64xf32>
    %get3A_17 = arith.constant 0 : index
    %get3A_18 = arith.constant 0 : index
    %get3A_19 = vector.load %arg5[%get3A_17, %get3A_18] : memref<1x64xf32, #tpu.memory_space<vmem>>, vector<1x64xf32>
    %add3A_20 = vector.broadcast %get3A_19 : vector<1x64xf32> to vector<2000x64xf32>
    %add3A_21 = arith.addf %dot_general3A_16, %add3A_20 : vector<2000x64xf32>
    %max3A_22 = arith.constant 0.000000e+00 : f32
    %max3A_23 = vector.broadcast %max3A_22 : f32 to vector<2000x64xf32>
    %max3A_24 = arith.maximumf %add3A_21, %max3A_23 : vector<2000x64xf32>
    %swap3A = arith.constant 0 : index
    %swap3A_25 = arith.constant 0 : index
    %swap3A_26 = vector.load %arg8[%swap3A, %swap3A_25] : memref<2000x128xf32, #tpu.memory_space<vmem>>, vector<2000x64xf32>
    tpu.vector_store %arg8[%swap3A, %swap3A_25], %max3A_24 {strides = array<i32>} : memref<2000x128xf32, #tpu.memory_space<vmem>>, vector<2000x64xf32>,
    %get3A_27 = arith.constant 0 : index
    %get3A_28 = arith.constant 0 : index
    %get3A_29 = vector.load %arg6[%get3A_27, %get3A_28] : memref<64x64xf32, #tpu.memory_space<vmem>>, vector<64x64xf32>
    %dot_general3A_30 = arith.constant dense<0.000000e+00> : vector<2000x64xf32>
    %dot_general3A_31 = tpu.matmul %max3A_24, %get3A_29, %dot_general3A_30 {dimension_numbers = #tpu.dot_dimension_numbers<[1], [0], [0], [1], [0, 0, 1, 1], [], []>, transpose_lhs_hint = false} : vector<2000x64xf32>, vector<64x64xf32>, vector<2000x64xf32> -> vector<2000x64xf32>
    %get3A_32 = arith.constant 0 : index
    %get3A_33 = arith.constant 0 : index
    %get3A_34 = vector.load %arg7[%get3A_32, %get3A_33] : memref<1x64xf32, #tpu.memory_space<vmem>>, vector<1x64xf32>
    %add3A_35 = vector.broadcast %get3A_34 : vector<1x64xf32> to vector<2000x64xf32>
    %add3A_36 = arith.addf %dot_general3A_31, %add3A_35 : vector<2000x64xf32>
    %swap3A_37 = arith.constant 0 : index
    %swap3A_38 = arith.constant 64 : index
    %swap3A_39 = vector.load %arg8[%swap3A_37, %swap3A_38] : memref<2000x128xf32, #tpu.memory_space<vmem>>, vector<2000x64xf32>
    tpu.vector_store %arg8[%swap3A_37, %swap3A_38], %add3A_36 {strides = array<i32>} : memref<2000x128xf32, #tpu.memory_space<vmem>>, vector<2000x64xf32>,
    return
  }
  func.func @transform_0(%arg0: i32) -> (i32, i32) {
    %c0_i32 = arith.constant 0 : i32
    %c0_i32_0 = arith.constant 0 : i32
    return %arg0, %c0_i32 : i32, i32
  }
  func.func @transform_1(%arg0: i32) -> (i32, i32) {
    %c0_i32 = arith.constant 0 : i32
    %c0_i32_0 = arith.constant 0 : i32
    %c0_i32_1 = arith.constant 0 : i32
    return %c0_i32, %c0_i32_0 : i32, i32
  }
  func.func @transform_2(%arg0: i32) -> (i32, i32) {
    %c0_i32 = arith.constant 0 : i32
    %c0_i32_0 = arith.constant 0 : i32
    %c0_i32_1 = arith.constant 0 : i32
    return %c0_i32, %c0_i32_0 : i32, i32
  }
  func.func @transform_3(%arg0: i32) -> (i32, i32) {
    %c0_i32 = arith.constant 0 : i32
    %c0_i32_0 = arith.constant 0 : i32
    %c0_i32_1 = arith.constant 0 : i32
    return %c0_i32, %c0_i32_0 : i32, i32
  }
  func.func @transform_4(%arg0: i32) -> (i32, i32) {
    %c0_i32 = arith.constant 0 : i32
    %c0_i32_0 = arith.constant 0 : i32
    %c0_i32_1 = arith.constant 0 : i32
    return %c0_i32, %c0_i32_0 : i32, i32
  }
  func.func @transform_5(%arg0: i32) -> (i32, i32) {
    %c0_i32 = arith.constant 0 : i32
    %c0_i32_0 = arith.constant 0 : i32
    %c0_i32_1 = arith.constant 0 : i32
    return %c0_i32, %c0_i32_0 : i32, i32
  }
  func.func @transform_6(%arg0: i32) -> (i32, i32) {
    %c0_i32 = arith.constant 0 : i32
    %c0_i32_0 = arith.constant 0 : i32
    %c0_i32_1 = arith.constant 0 : i32
    return %c0_i32, %c0_i32_0 : i32, i32
  }
  func.func @transform_7(%arg0: i32) -> (i32, i32) {
    %c0_i32 = arith.constant 0 : i32
    %c0_i32_0 = arith.constant 0 : i32
    return %arg0, %c0_i32 : i32, i32
  }
}

module attributes {stable_mosaic.version = 14 : i64} {
  func.func @_encode_nodes_body(%arg0: i32, %arg1: memref<2000x8xf32, #tpu.memory_space<vmem>>, %arg2: memref<8x64xf32, #tpu.memory_space<vmem>>, %arg3: memref<1x64xf32, #tpu.memory_space<vmem>>, %arg4: memref<64x64xf32, #tpu.memory_space<vmem>>, %arg5: memref<1x64xf32, #tpu.memory_space<vmem>>, %arg6: memref<2000x128xf32, #tpu.memory_space<vmem>>) attributes {dimension_semantics = [#tpu.dimension_semantics<arbitrary>], iteration_bounds = array<i64: 25>, scalar_prefetch = 0 : i64, scratch_operands = 0 : i64, tpu.core_type = #tpu.core_type<tc>, window_params = [{transform_indices = @transform_0, window_bounds = array<i64: 2000, 8>}, {pipeline_mode = #tpu.pipeline_mode<synchronous>, transform_indices = @transform_1, window_bounds = array<i64: 8, 64>}, {pipeline_mode = #tpu.pipeline_mode<synchronous>, transform_indices = @transform_2, window_bounds = array<i64: 1, 64>}, {pipeline_mode = #tpu.pipeline_mode<synchronous>, transform_indices = @transform_3, window_bounds = array<i64: 64, 64>}, {pipeline_mode = #tpu.pipeline_mode<synchronous>, transform_indices = @transform_4, window_bounds = array<i64: 1, 64>}, {transform_indices = @transform_5, window_bounds = array<i64: 2000, 128>}]} {
    %get3A = arith.constant 0 : index
    %get3A_0 = arith.constant 0 : index
    %get3A_1 = vector.load %arg1[%get3A, %get3A_0] : memref<2000x8xf32, #tpu.memory_space<vmem>>, vector<2000x8xf32>
    %get3A_2 = arith.constant 0 : index
    %get3A_3 = arith.constant 0 : index
    %get3A_4 = vector.load %arg2[%get3A_2, %get3A_3] : memref<8x64xf32, #tpu.memory_space<vmem>>, vector<8x64xf32>
    %dot_general3A = arith.constant dense<0.000000e+00> : vector<2000x64xf32>
    %dot_general3A_5 = tpu.matmul %get3A_1, %get3A_4, %dot_general3A {dimension_numbers = #tpu.dot_dimension_numbers<[1], [0], [0], [1], [0, 0, 1, 1], [], []>, transpose_lhs_hint = false} : vector<2000x8xf32>, vector<8x64xf32>, vector<2000x64xf32> -> vector<2000x64xf32>
    %get3A_6 = arith.constant 0 : index
    %get3A_7 = arith.constant 0 : index
    %get3A_8 = vector.load %arg3[%get3A_6, %get3A_7] : memref<1x64xf32, #tpu.memory_space<vmem>>, vector<1x64xf32>
    %add3A = vector.broadcast %get3A_8 : vector<1x64xf32> to vector<2000x64xf32>
    %add3A_9 = arith.addf %dot_general3A_5, %add3A : vector<2000x64xf32>
    %max3A = arith.constant 0.000000e+00 : f32
    %max3A_10 = vector.broadcast %max3A : f32 to vector<2000x64xf32>
    %max3A_11 = arith.maximumf %add3A_9, %max3A_10 : vector<2000x64xf32>
    %get3A_12 = arith.constant 0 : index
    %get3A_13 = arith.constant 0 : index
    %get3A_14 = vector.load %arg4[%get3A_12, %get3A_13] : memref<64x64xf32, #tpu.memory_space<vmem>>, vector<64x64xf32>
    %dot_general3A_15 = arith.constant dense<0.000000e+00> : vector<2000x64xf32>
    %dot_general3A_16 = tpu.matmul %max3A_11, %get3A_14, %dot_general3A_15 {dimension_numbers = #tpu.dot_dimension_numbers<[1], [0], [0], [1], [0, 0, 1, 1], [], []>, transpose_lhs_hint = false} : vector<2000x64xf32>, vector<64x64xf32>, vector<2000x64xf32> -> vector<2000x64xf32>
    %get3A_17 = arith.constant 0 : index
    %get3A_18 = arith.constant 0 : index
    %get3A_19 = vector.load %arg5[%get3A_17, %get3A_18] : memref<1x64xf32, #tpu.memory_space<vmem>>, vector<1x64xf32>
    %add3A_20 = vector.broadcast %get3A_19 : vector<1x64xf32> to vector<2000x64xf32>
    %add3A_21 = arith.addf %dot_general3A_16, %add3A_20 : vector<2000x64xf32>
    %max3A_22 = arith.constant 0.000000e+00 : f32
    %max3A_23 = vector.broadcast %max3A_22 : f32 to vector<2000x64xf32>
    %max3A_24 = arith.maximumf %add3A_21, %max3A_23 : vector<2000x64xf32>
    %swap3A = arith.constant 0 : index
    %swap3A_25 = arith.constant 0 : index
    %swap3A_26 = vector.load %arg6[%swap3A, %swap3A_25] : memref<2000x128xf32, #tpu.memory_space<vmem>>, vector<2000x64xf32>
    tpu.vector_store %arg6[%swap3A, %swap3A_25], %max3A_24 {strides = array<i32>} : memref<2000x128xf32, #tpu.memory_space<vmem>>, vector<2000x64xf32>,
    %swap3A_27 = arith.constant 0 : index
    %swap3A_28 = arith.constant 64 : index
    %swap3A_29 = vector.load %arg6[%swap3A_27, %swap3A_28] : memref<2000x128xf32, #tpu.memory_space<vmem>>, vector<2000x64xf32>
    tpu.vector_store %arg6[%swap3A_27, %swap3A_28], %max3A_24 {strides = array<i32>} : memref<2000x128xf32, #tpu.memory_space<vmem>>, vector<2000x64xf32>,
    return
  }
  func.func @transform_0(%arg0: i32) -> (i32, i32) {
    %c0_i32 = arith.constant 0 : i32
    %c0_i32_0 = arith.constant 0 : i32
    return %arg0, %c0_i32 : i32, i32
  }
  func.func @transform_1(%arg0: i32) -> (i32, i32) {
    %c0_i32 = arith.constant 0 : i32
    %c0_i32_0 = arith.constant 0 : i32
    %c0_i32_1 = arith.constant 0 : i32
    return %c0_i32, %c0_i32_0 : i32, i32
  }
  func.func @transform_2(%arg0: i32) -> (i32, i32) {
    %c0_i32 = arith.constant 0 : i32
    %c0_i32_0 = arith.constant 0 : i32
    %c0_i32_1 = arith.constant 0 : i32
    return %c0_i32, %c0_i32_0 : i32, i32
  }
  func.func @transform_3(%arg0: i32) -> (i32, i32) {
    %c0_i32 = arith.constant 0 : i32
    %c0_i32_0 = arith.constant 0 : i32
    %c0_i32_1 = arith.constant 0 : i32
    return %c0_i32, %c0_i32_0 : i32, i32
  }
  func.func @transform_4(%arg0: i32) -> (i32, i32) {
    %c0_i32 = arith.constant 0 : i32
    %c0_i32_0 = arith.constant 0 : i32
    %c0_i32_1 = arith.constant 0 : i32
    return %c0_i32, %c0_i32_0 : i32, i32
  }
  func.func @transform_5(%arg0: i32) -> (i32, i32) {
    %c0_i32 = arith.constant 0 : i32
    %c0_i32_0 = arith.constant 0 : i32
    return %arg0, %c0_i32 : i32, i32
  }
}

module attributes {stable_mosaic.version = 14 : i64} {
  func.func @_proj_body(%arg0: i32, %arg1: memref<2000x128xf32, #tpu.memory_space<vmem>>, %arg2: memref<128x128xf32, #tpu.memory_space<vmem>>, %arg3: memref<128x64xf32, #tpu.memory_space<vmem>>, %arg4: memref<2000x128xf32, #tpu.memory_space<vmem>>, %arg5: memref<2000x128xf32, #tpu.memory_space<vmem>>) attributes {dimension_semantics = [#tpu.dimension_semantics<arbitrary>], iteration_bounds = array<i64: 25>, scalar_prefetch = 0 : i64, scratch_operands = 0 : i64, tpu.core_type = #tpu.core_type<tc>, window_params = [{transform_indices = @transform_0, window_bounds = array<i64: 2000, 128>}, {pipeline_mode = #tpu.pipeline_mode<synchronous>, transform_indices = @transform_1, window_bounds = array<i64: 128, 128>}, {pipeline_mode = #tpu.pipeline_mode<synchronous>, transform_indices = @transform_2, window_bounds = array<i64: 128, 64>}, {transform_indices = @transform_3, window_bounds = array<i64: 2000, 128>}, {transform_indices = @transform_4, window_bounds = array<i64: 2000, 128>}]} {
    %get3A = arith.constant 0 : index
    %get3A_0 = arith.constant 0 : index
    %get3A_1 = vector.load %arg1[%get3A, %get3A_0] : memref<2000x128xf32, #tpu.memory_space<vmem>>, vector<2000x128xf32>
    %get3A_2 = arith.constant 0 : index
    %get3A_3 = arith.constant 0 : index
    %get3A_4 = vector.load %arg2[%get3A_2, %get3A_3] : memref<128x128xf32, #tpu.memory_space<vmem>>, vector<128x128xf32>
    %dot_general3A = arith.constant dense<0.000000e+00> : vector<2000x128xf32>
    %dot_general3A_5 = tpu.matmul %get3A_1, %get3A_4, %dot_general3A {dimension_numbers = #tpu.dot_dimension_numbers<[1], [0], [0], [1], [0, 0, 1, 1], [], []>, transpose_lhs_hint = false} : vector<2000x128xf32>, vector<128x128xf32>, vector<2000x128xf32> -> vector<2000x128xf32>
    %swap3A = arith.constant 0 : index
    %swap3A_6 = arith.constant 0 : index
    %swap3A_7 = vector.load %arg4[%swap3A, %swap3A_6] : memref<2000x128xf32, #tpu.memory_space<vmem>>, vector<2000x128xf32>
    tpu.vector_store %arg4[%swap3A, %swap3A_6], %dot_general3A_5 {strides = array<i32>} : memref<2000x128xf32, #tpu.memory_space<vmem>>, vector<2000x128xf32>,
    %get3A_8 = arith.constant 0 : index
    %get3A_9 = arith.constant 0 : index
    %get3A_10 = vector.load %arg3[%get3A_8, %get3A_9] : memref<128x64xf32, #tpu.memory_space<vmem>>, vector<128x64xf32>
    %dot_general3A_11 = arith.constant dense<0.000000e+00> : vector<2000x64xf32>
    %dot_general3A_12 = tpu.matmul %get3A_1, %get3A_10, %dot_general3A_11 {dimension_numbers = #tpu.dot_dimension_numbers<[1], [0], [0], [1], [0, 0, 1, 1], [], []>, transpose_lhs_hint = false} : vector<2000x128xf32>, vector<128x64xf32>, vector<2000x64xf32> -> vector<2000x64xf32>
    %swap3A_13 = arith.constant 0 : index
    %swap3A_14 = arith.constant 0 : index
    %swap3A_15 = vector.load %arg5[%swap3A_13, %swap3A_14] : memref<2000x128xf32, #tpu.memory_space<vmem>>, vector<2000x64xf32>
    tpu.vector_store %arg5[%swap3A_13, %swap3A_14], %dot_general3A_12 {strides = array<i32>} : memref<2000x128xf32, #tpu.memory_space<vmem>>, vector<2000x64xf32>,
    %broadcast_in_dim3A = arith.constant 0.000000e+00 : f32
    %broadcast_in_dim3A_16 = vector.broadcast %broadcast_in_dim3A : f32 to vector<2000x64xf32>
    %swap3A_17 = arith.constant 0 : index
    %swap3A_18 = arith.constant 64 : index
    %swap3A_19 = vector.load %arg5[%swap3A_17, %swap3A_18] : memref<2000x128xf32, #tpu.memory_space<vmem>>, vector<2000x64xf32>
    tpu.vector_store %arg5[%swap3A_17, %swap3A_18], %broadcast_in_dim3A_16 {strides = array<i32>} : memref<2000x128xf32, #tpu.memory_space<vmem>>, vector<2000x64xf32>,
    return
  }
  func.func @transform_0(%arg0: i32) -> (i32, i32) {
    %c0_i32 = arith.constant 0 : i32
    %c0_i32_0 = arith.constant 0 : i32
    return %arg0, %c0_i32 : i32, i32
  }
  func.func @transform_1(%arg0: i32) -> (i32, i32) {
    %c0_i32 = arith.constant 0 : i32
    %c0_i32_0 = arith.constant 0 : i32
    %c0_i32_1 = arith.constant 0 : i32
    return %c0_i32, %c0_i32_0 : i32, i32
  }
  func.func @transform_2(%arg0: i32) -> (i32, i32) {
    %c0_i32 = arith.constant 0 : i32
    %c0_i32_0 = arith.constant 0 : i32
    %c0_i32_1 = arith.constant 0 : i32
    return %c0_i32, %c0_i32_0 : i32, i32
  }
  func.func @transform_3(%arg0: i32) -> (i32, i32) {
    %c0_i32 = arith.constant 0 : i32
    %c0_i32_0 = arith.constant 0 : i32
    return %arg0, %c0_i32 : i32, i32
  }
  func.func @transform_4(%arg0: i32) -> (i32, i32) {
    %c0_i32 = arith.constant 0 : i32
    %c0_i32_0 = arith.constant 0 : i32
    return %arg0, %c0_i32 : i32, i32
  }
}

module attributes {stable_mosaic.version = 14 : i64} {
  func.func @_edge_mlp_body(%arg0: i32, %arg1: memref<2000x128xf32, #tpu.memory_space<vmem>>, %arg2: memref<2000x128xf32, #tpu.memory_space<vmem>>, %arg3: memref<2000x128xf32, #tpu.memory_space<vmem>>, %arg4: memref<64x64xf32, #tpu.memory_space<vmem>>, %arg5: memref<64x64xf32, #tpu.memory_space<vmem>>, %arg6: memref<1x64xf32, #tpu.memory_space<vmem>>, %arg7: memref<64x64xf32, #tpu.memory_space<vmem>>, %arg8: memref<1x64xf32, #tpu.memory_space<vmem>>, %arg9: memref<64x64xf32, #tpu.memory_space<vmem>>, %arg10: memref<1x64xf32, #tpu.memory_space<vmem>>, %arg11: memref<2000x128xf32, #tpu.memory_space<vmem>>, %arg12: memref<2000x64xf32, #tpu.memory_space<vmem>>) attributes {dimension_semantics = [#tpu.dimension_semantics<arbitrary>], iteration_bounds = array<i64: 400>, scalar_prefetch = 0 : i64, scratch_operands = 0 : i64, tpu.core_type = #tpu.core_type<tc>, window_params = [{transform_indices = @transform_0, window_bounds = array<i64: 2000, 128>}, {transform_indices = @transform_1, window_bounds = array<i64: 2000, 128>}, {transform_indices = @transform_2, window_bounds = array<i64: 2000, 128>}, {pipeline_mode = #tpu.pipeline_mode<synchronous>, transform_indices = @transform_3, window_bounds = array<i64: 64, 64>}, {pipeline_mode = #tpu.pipeline_mode<synchronous>, transform_indices = @transform_4, window_bounds = array<i64: 64, 64>}, {pipeline_mode = #tpu.pipeline_mode<synchronous>, transform_indices = @transform_5, window_bounds = array<i64: 1, 64>}, {pipeline_mode = #tpu.pipeline_mode<synchronous>, transform_indices = @transform_6, window_bounds = array<i64: 64, 64>}, {pipeline_mode = #tpu.pipeline_mode<synchronous>, transform_indices = @transform_7, window_bounds = array<i64: 1, 64>}, {pipeline_mode = #tpu.pipeline_mode<synchronous>, transform_indices = @transform_8, window_bounds = array<i64: 64, 64>}, {pipeline_mode = #tpu.pipeline_mode<synchronous>, transform_indices = @transform_9, window_bounds = array<i64: 1, 64>}, {transform_indices = @transform_10, window_bounds = array<i64: 2000, 128>}, {transform_indices = @transform_11, window_bounds = array<i64: 2000, 64>}]} {
    %get3A = arith.constant 0 : index
    %get3A_0 = arith.constant 0 : index
    %get3A_1 = vector.load %arg1[%get3A, %get3A_0] : memref<2000x128xf32, #tpu.memory_space<vmem>>, vector<2000x128xf32>
    %get3A_2 = arith.constant 0 : index
    %get3A_3 = arith.constant 0 : index
    %get3A_4 = vector.load %arg3[%get3A_2, %get3A_3] : memref<2000x128xf32, #tpu.memory_space<vmem>>, vector<2000x128xf32>
    %slice3A = vector.extract_strided_slice %get3A_1 {offsets = [0, 0], sizes = [2000, 64], strides = [1, 1]} : vector<2000x128xf32> to vector<2000x64xf32>
    %get3A_5 = arith.constant 0 : index
    %get3A_6 = arith.constant 0 : index
    %get3A_7 = vector.load %arg2[%get3A_5, %get3A_6] : memref<2000x128xf32, #tpu.memory_space<vmem>>, vector<2000x64xf32>
    %add3A = arith.addf %slice3A, %get3A_7 : vector<2000x64xf32>
    %slice3A_8 = vector.extract_strided_slice %get3A_4 {offsets = [0, 0], sizes = [2000, 64], strides = [1, 1]} : vector<2000x128xf32> to vector<2000x64xf32>
    %get3A_9 = arith.constant 0 : index
    %get3A_10 = arith.constant 0 : index
    %get3A_11 = vector.load %arg4[%get3A_9, %get3A_10] : memref<64x64xf32, #tpu.memory_space<vmem>>, vector<64x64xf32>
    %dot_general3A = arith.constant dense<0.000000e+00> : vector<2000x64xf32>
    %dot_general3A_12 = tpu.matmul %slice3A_8, %get3A_11, %dot_general3A {dimension_numbers = #tpu.dot_dimension_numbers<[1], [0], [0], [1], [0, 0, 1, 1], [], []>, transpose_lhs_hint = false} : vector<2000x64xf32>, vector<64x64xf32>, vector<2000x64xf32> -> vector<2000x64xf32>
    %add3A_13 = arith.addf %add3A, %dot_general3A_12 : vector<2000x64xf32>
    %slice3A_14 = vector.extract_strided_slice %get3A_4 {offsets = [0, 64], sizes = [2000, 64], strides = [1, 1]} : vector<2000x128xf32> to vector<2000x64xf32>
    %add3A_15 = arith.addf %add3A_13, %slice3A_14 : vector<2000x64xf32>
    %max3A = arith.constant 0.000000e+00 : f32
    %max3A_16 = vector.broadcast %max3A : f32 to vector<2000x64xf32>
    %max3A_17 = arith.maximumf %add3A_15, %max3A_16 : vector<2000x64xf32>
    %get3A_18 = arith.constant 0 : index
    %get3A_19 = arith.constant 0 : index
    %get3A_20 = vector.load %arg5[%get3A_18, %get3A_19] : memref<64x64xf32, #tpu.memory_space<vmem>>, vector<64x64xf32>
    %dot_general3A_21 = arith.constant dense<0.000000e+00> : vector<2000x64xf32>
    %dot_general3A_22 = tpu.matmul %max3A_17, %get3A_20, %dot_general3A_21 {dimension_numbers = #tpu.dot_dimension_numbers<[1], [0], [0], [1], [0, 0, 1, 1], [], []>, transpose_lhs_hint = false} : vector<2000x64xf32>, vector<64x64xf32>, vector<2000x64xf32> -> vector<2000x64xf32>
    %get3A_23 = arith.constant 0 : index
    %get3A_24 = arith.constant 0 : index
    %get3A_25 = vector.load %arg6[%get3A_23, %get3A_24] : memref<1x64xf32, #tpu.memory_space<vmem>>, vector<1x64xf32>
    %add3A_26 = vector.broadcast %get3A_25 : vector<1x64xf32> to vector<2000x64xf32>
    %add3A_27 = arith.addf %dot_general3A_22, %add3A_26 : vector<2000x64xf32>
    %max3A_28 = arith.constant 0.000000e+00 : f32
    %max3A_29 = vector.broadcast %max3A_28 : f32 to vector<2000x64xf32>
    %max3A_30 = arith.maximumf %add3A_27, %max3A_29 : vector<2000x64xf32>
    %slice3A_31 = vector.extract_strided_slice %get3A_1 {offsets = [0, 64], sizes = [2000, 64], strides = [1, 1]} : vector<2000x128xf32> to vector<2000x64xf32>
    %get3A_32 = arith.constant 0 : index
    %get3A_33 = arith.constant 0 : index
    %get3A_34 = vector.load %arg7[%get3A_32, %get3A_33] : memref<64x64xf32, #tpu.memory_space<vmem>>, vector<64x64xf32>
    %dot_general3A_35 = arith.constant dense<0.000000e+00> : vector<2000x64xf32>
    %dot_general3A_36 = tpu.matmul %max3A_30, %get3A_34, %dot_general3A_35 {dimension_numbers = #tpu.dot_dimension_numbers<[1], [0], [0], [1], [0, 0, 1, 1], [], []>, transpose_lhs_hint = false} : vector<2000x64xf32>, vector<64x64xf32>, vector<2000x64xf32> -> vector<2000x64xf32>
    %add3A_37 = arith.addf %slice3A_31, %dot_general3A_36 : vector<2000x64xf32>
    %get3A_38 = arith.constant 0 : index
    %get3A_39 = arith.constant 0 : index
    %get3A_40 = vector.load %arg8[%get3A_38, %get3A_39] : memref<1x64xf32, #tpu.memory_space<vmem>>, vector<1x64xf32>
    %add3A_41 = vector.broadcast %get3A_40 : vector<1x64xf32> to vector<2000x64xf32>
    %add3A_42 = arith.addf %add3A_37, %add3A_41 : vector<2000x64xf32>
    %max3A_43 = arith.constant 0.000000e+00 : f32
    %max3A_44 = vector.broadcast %max3A_43 : f32 to vector<2000x64xf32>
    %max3A_45 = arith.maximumf %add3A_42, %max3A_44 : vector<2000x64xf32>
    %get3A_46 = arith.constant 0 : index
    %get3A_47 = arith.constant 0 : index
    %get3A_48 = vector.load %arg9[%get3A_46, %get3A_47] : memref<64x64xf32, #tpu.memory_space<vmem>>, vector<64x64xf32>
    %dot_general3A_49 = arith.constant dense<0.000000e+00> : vector<2000x64xf32>
    %dot_general3A_50 = tpu.matmul %max3A_45, %get3A_48, %dot_general3A_49 {dimension_numbers = #tpu.dot_dimension_numbers<[1], [0], [0], [1], [0, 0, 1, 1], [], []>, transpose_lhs_hint = false} : vector<2000x64xf32>, vector<64x64xf32>, vector<2000x64xf32> -> vector<2000x64xf32>
    %get3A_51 = arith.constant 0 : index
    %get3A_52 = arith.constant 0 : index
    %get3A_53 = vector.load %arg10[%get3A_51, %get3A_52] : memref<1x64xf32, #tpu.memory_space<vmem>>, vector<1x64xf32>
    %add3A_54 = vector.broadcast %get3A_53 : vector<1x64xf32> to vector<2000x64xf32>
    %add3A_55 = arith.addf %dot_general3A_50, %add3A_54 : vector<2000x64xf32>
    %max3A_56 = arith.constant 0.000000e+00 : f32
    %max3A_57 = vector.broadcast %max3A_56 : f32 to vector<2000x64xf32>
    %max3A_58 = arith.maximumf %add3A_55, %max3A_57 : vector<2000x64xf32>
    %swap3A = arith.constant 0 : index
    %swap3A_59 = arith.constant 0 : index
    %swap3A_60 = vector.load %arg12[%swap3A, %swap3A_59] : memref<2000x64xf32, #tpu.memory_space<vmem>>, vector<2000x64xf32>
    tpu.vector_store %arg12[%swap3A, %swap3A_59], %max3A_58 {strides = array<i32>} : memref<2000x64xf32, #tpu.memory_space<vmem>>, vector<2000x64xf32>,
    %swap3A_61 = arith.constant 0 : index
    %swap3A_62 = arith.constant 0 : index
    %swap3A_63 = vector.load %arg11[%swap3A_61, %swap3A_62] : memref<2000x128xf32, #tpu.memory_space<vmem>>, vector<2000x64xf32>
    tpu.vector_store %arg11[%swap3A_61, %swap3A_62], %max3A_30 {strides = array<i32>} : memref<2000x128xf32, #tpu.memory_space<vmem>>, vector<2000x64xf32>,
    %slice3A_64 = vector.extract_strided_slice %get3A_4 {offsets = [0, 64], sizes = [2000, 64], strides = [1, 1]} : vector<2000x128xf32> to vector<2000x64xf32>
    %swap3A_65 = arith.constant 0 : index
    %swap3A_66 = arith.constant 64 : index
    %swap3A_67 = vector.load %arg11[%swap3A_65, %swap3A_66] : memref<2000x128xf32, #tpu.memory_space<vmem>>, vector<2000x64xf32>
    tpu.vector_store %arg11[%swap3A_65, %swap3A_66], %slice3A_64 {strides = array<i32>} : memref<2000x128xf32, #tpu.memory_space<vmem>>, vector<2000x64xf32>,
    return
  }
  func.func @transform_0(%arg0: i32) -> (i32, i32) {
    %c0_i32 = arith.constant 0 : i32
    %c0_i32_0 = arith.constant 0 : i32
    return %arg0, %c0_i32 : i32, i32
  }
  func.func @transform_1(%arg0: i32) -> (i32, i32) {
    %c0_i32 = arith.constant 0 : i32
    %c0_i32_0 = arith.constant 0 : i32
    return %arg0, %c0_i32 : i32, i32
  }
  func.func @transform_2(%arg0: i32) -> (i32, i32) {
    %c0_i32 = arith.constant 0 : i32
    %c0_i32_0 = arith.constant 0 : i32
    return %arg0, %c0_i32 : i32, i32
  }
  func.func @transform_3(%arg0: i32) -> (i32, i32) {
    %c0_i32 = arith.constant 0 : i32
    %c0_i32_0 = arith.constant 0 : i32
    %c0_i32_1 = arith.constant 0 : i32
    return %c0_i32, %c0_i32_0 : i32, i32
  }
  func.func @transform_4(%arg0: i32) -> (i32, i32) {
    %c0_i32 = arith.constant 0 : i32
    %c0_i32_0 = arith.constant 0 : i32
    %c0_i32_1 = arith.constant 0 : i32
    return %c0_i32, %c0_i32_0 : i32, i32
  }
  func.func @transform_5(%arg0: i32) -> (i32, i32) {
    %c0_i32 = arith.constant 0 : i32
    %c0_i32_0 = arith.constant 0 : i32
    %c0_i32_1 = arith.constant 0 : i32
    return %c0_i32, %c0_i32_0 : i32, i32
  }
  func.func @transform_6(%arg0: i32) -> (i32, i32) {
    %c0_i32 = arith.constant 0 : i32
    %c0_i32_0 = arith.constant 0 : i32
    %c0_i32_1 = arith.constant 0 : i32
    return %c0_i32, %c0_i32_0 : i32, i32
  }
  func.func @transform_7(%arg0: i32) -> (i32, i32) {
    %c0_i32 = arith.constant 0 : i32
    %c0_i32_0 = arith.constant 0 : i32
    %c0_i32_1 = arith.constant 0 : i32
    return %c0_i32, %c0_i32_0 : i32, i32
  }
  func.func @transform_8(%arg0: i32) -> (i32, i32) {
    %c0_i32 = arith.constant 0 : i32
    %c0_i32_0 = arith.constant 0 : i32
    %c0_i32_1 = arith.constant 0 : i32
    return %c0_i32, %c0_i32_0 : i32, i32
  }
  func.func @transform_9(%arg0: i32) -> (i32, i32) {
    %c0_i32 = arith.constant 0 : i32
    %c0_i32_0 = arith.constant 0 : i32
    %c0_i32_1 = arith.constant 0 : i32
    return %c0_i32, %c0_i32_0 : i32, i32
  }
  func.func @transform_10(%arg0: i32) -> (i32, i32) {
    %c0_i32 = arith.constant 0 : i32
    %c0_i32_0 = arith.constant 0 : i32
    return %arg0, %c0_i32 : i32, i32
  }
  func.func @transform_11(%arg0: i32) -> (i32, i32) {
    %c0_i32 = arith.constant 0 : i32
    %c0_i32_0 = arith.constant 0 : i32
    return %arg0, %c0_i32 : i32, i32
  }
}

module attributes {stable_mosaic.version = 14 : i64} {
  func.func @_node_update_body(%arg0: i32, %arg1: memref<2000x128xf32, #tpu.memory_space<vmem>>, %arg2: memref<2000x64xf32, #tpu.memory_space<vmem>>, %arg3: memref<128x64xf32, #tpu.memory_space<vmem>>, %arg4: memref<64x64xf32, #tpu.memory_space<vmem>>, %arg5: memref<1x64xf32, #tpu.memory_space<vmem>>, %arg6: memref<64x64xf32, #tpu.memory_space<vmem>>, %arg7: memref<1x64xf32, #tpu.memory_space<vmem>>, %arg8: memref<2000x128xf32, #tpu.memory_space<vmem>>) attributes {dimension_semantics = [#tpu.dimension_semantics<arbitrary>], iteration_bounds = array<i64: 25>, scalar_prefetch = 0 : i64, scratch_operands = 0 : i64, tpu.core_type = #tpu.core_type<tc>, window_params = [{transform_indices = @transform_0, window_bounds = array<i64: 2000, 128>}, {transform_indices = @transform_1, window_bounds = array<i64: 2000, 64>}, {pipeline_mode = #tpu.pipeline_mode<synchronous>, transform_indices = @transform_2, window_bounds = array<i64: 128, 64>}, {pipeline_mode = #tpu.pipeline_mode<synchronous>, transform_indices = @transform_3, window_bounds = array<i64: 64, 64>}, {pipeline_mode = #tpu.pipeline_mode<synchronous>, transform_indices = @transform_4, window_bounds = array<i64: 1, 64>}, {pipeline_mode = #tpu.pipeline_mode<synchronous>, transform_indices = @transform_5, window_bounds = array<i64: 64, 64>}, {pipeline_mode = #tpu.pipeline_mode<synchronous>, transform_indices = @transform_6, window_bounds = array<i64: 1, 64>}, {transform_indices = @transform_7, window_bounds = array<i64: 2000, 128>}]} {
    %get3A = arith.constant 0 : index
    %get3A_0 = arith.constant 0 : index
    %get3A_1 = vector.load %arg1[%get3A, %get3A_0] : memref<2000x128xf32, #tpu.memory_space<vmem>>, vector<2000x128xf32>
    %get3A_2 = arith.constant 0 : index
    %get3A_3 = arith.constant 0 : index
    %get3A_4 = vector.load %arg3[%get3A_2, %get3A_3] : memref<128x64xf32, #tpu.memory_space<vmem>>, vector<128x64xf32>
    %dot_general3A = arith.constant dense<0.000000e+00> : vector<2000x64xf32>
    %dot_general3A_5 = tpu.matmul %get3A_1, %get3A_4, %dot_general3A {dimension_numbers = #tpu.dot_dimension_numbers<[1], [0], [0], [1], [0, 0, 1, 1], [], []>, transpose_lhs_hint = false} : vector<2000x128xf32>, vector<128x64xf32>, vector<2000x64xf32> -> vector<2000x64xf32>
    %get3A_6 = arith.constant 0 : index
    %get3A_7 = arith.constant 0 : index
    %get3A_8 = vector.load %arg2[%get3A_6, %get3A_7] : memref<2000x64xf32, #tpu.memory_space<vmem>>, vector<2000x64xf32>
    %get3A_9 = arith.constant 0 : index
    %get3A_10 = arith.constant 0 : index
    %get3A_11 = vector.load %arg4[%get3A_9, %get3A_10] : memref<64x64xf32, #tpu.memory_space<vmem>>, vector<64x64xf32>
    %dot_general3A_12 = arith.constant dense<0.000000e+00> : vector<2000x64xf32>
    %dot_general3A_13 = tpu.matmul %get3A_8, %get3A_11, %dot_general3A_12 {dimension_numbers = #tpu.dot_dimension_numbers<[1], [0], [0], [1], [0, 0, 1, 1], [], []>, transpose_lhs_hint = false} : vector<2000x64xf32>, vector<64x64xf32>, vector<2000x64xf32> -> vector<2000x64xf32>
    %add3A = arith.addf %dot_general3A_5, %dot_general3A_13 : vector<2000x64xf32>
    %get3A_14 = arith.constant 0 : index
    %get3A_15 = arith.constant 0 : index
    %get3A_16 = vector.load %arg5[%get3A_14, %get3A_15] : memref<1x64xf32, #tpu.memory_space<vmem>>, vector<1x64xf32>
    %add3A_17 = vector.broadcast %get3A_16 : vector<1x64xf32> to vector<2000x64xf32>
    %add3A_18 = arith.addf %add3A, %add3A_17 : vector<2000x64xf32>
    %max3A = arith.constant 0.000000e+00 : f32
    %max3A_19 = vector.broadcast %max3A : f32 to vector<2000x64xf32>
    %max3A_20 = arith.maximumf %add3A_18, %max3A_19 : vector<2000x64xf32>
    %get3A_21 = arith.constant 0 : index
    %get3A_22 = arith.constant 0 : index
    %get3A_23 = vector.load %arg6[%get3A_21, %get3A_22] : memref<64x64xf32, #tpu.memory_space<vmem>>, vector<64x64xf32>
    %dot_general3A_24 = arith.constant dense<0.000000e+00> : vector<2000x64xf32>
    %dot_general3A_25 = tpu.matmul %max3A_20, %get3A_23, %dot_general3A_24 {dimension_numbers = #tpu.dot_dimension_numbers<[1], [0], [0], [1], [0, 0, 1, 1], [], []>, transpose_lhs_hint = false} : vector<2000x64xf32>, vector<64x64xf32>, vector<2000x64xf32> -> vector<2000x64xf32>
    %get3A_26 = arith.constant 0 : index
    %get3A_27 = arith.constant 0 : index
    %get3A_28 = vector.load %arg7[%get3A_26, %get3A_27] : memref<1x64xf32, #tpu.memory_space<vmem>>, vector<1x64xf32>
    %add3A_29 = vector.broadcast %get3A_28 : vector<1x64xf32> to vector<2000x64xf32>
    %add3A_30 = arith.addf %dot_general3A_25, %add3A_29 : vector<2000x64xf32>
    %max3A_31 = arith.constant 0.000000e+00 : f32
    %max3A_32 = vector.broadcast %max3A_31 : f32 to vector<2000x64xf32>
    %max3A_33 = arith.maximumf %add3A_30, %max3A_32 : vector<2000x64xf32>
    %swap3A = arith.constant 0 : index
    %swap3A_34 = arith.constant 0 : index
    %swap3A_35 = vector.load %arg8[%swap3A, %swap3A_34] : memref<2000x128xf32, #tpu.memory_space<vmem>>, vector<2000x64xf32>
    tpu.vector_store %arg8[%swap3A, %swap3A_34], %max3A_33 {strides = array<i32>} : memref<2000x128xf32, #tpu.memory_space<vmem>>, vector<2000x64xf32>,
    %get3A_36 = arith.constant 0 : index
    %get3A_37 = arith.constant 64 : index
    %get3A_38 = vector.load %arg1[%get3A_36, %get3A_37] : memref<2000x128xf32, #tpu.memory_space<vmem>>, vector<2000x64xf32>
    %swap3A_39 = arith.constant 0 : index
    %swap3A_40 = arith.constant 64 : index
    %swap3A_41 = vector.load %arg8[%swap3A_39, %swap3A_40] : memref<2000x128xf32, #tpu.memory_space<vmem>>, vector<2000x64xf32>
    tpu.vector_store %arg8[%swap3A_39, %swap3A_40], %get3A_38 {strides = array<i32>} : memref<2000x128xf32, #tpu.memory_space<vmem>>, vector<2000x64xf32>,
    return
  }
  func.func @transform_0(%arg0: i32) -> (i32, i32) {
    %c0_i32 = arith.constant 0 : i32
    %c0_i32_0 = arith.constant 0 : i32
    return %arg0, %c0_i32 : i32, i32
  }
  func.func @transform_1(%arg0: i32) -> (i32, i32) {
    %c0_i32 = arith.constant 0 : i32
    %c0_i32_0 = arith.constant 0 : i32
    return %arg0, %c0_i32 : i32, i32
  }
  func.func @transform_2(%arg0: i32) -> (i32, i32) {
    %c0_i32 = arith.constant 0 : i32
    %c0_i32_0 = arith.constant 0 : i32
    %c0_i32_1 = arith.constant 0 : i32
    return %c0_i32, %c0_i32_0 : i32, i32
  }
  func.func @transform_3(%arg0: i32) -> (i32, i32) {
    %c0_i32 = arith.constant 0 : i32
    %c0_i32_0 = arith.constant 0 : i32
    %c0_i32_1 = arith.constant 0 : i32
    return %c0_i32, %c0_i32_0 : i32, i32
  }
  func.func @transform_4(%arg0: i32) -> (i32, i32) {
    %c0_i32 = arith.constant 0 : i32
    %c0_i32_0 = arith.constant 0 : i32
    %c0_i32_1 = arith.constant 0 : i32
    return %c0_i32, %c0_i32_0 : i32, i32
  }
  func.func @transform_5(%arg0: i32) -> (i32, i32) {
    %c0_i32 = arith.constant 0 : i32
    %c0_i32_0 = arith.constant 0 : i32
    %c0_i32_1 = arith.constant 0 : i32
    return %c0_i32, %c0_i32_0 : i32, i32
  }
  func.func @transform_6(%arg0: i32) -> (i32, i32) {
    %c0_i32 = arith.constant 0 : i32
    %c0_i32_0 = arith.constant 0 : i32
    %c0_i32_1 = arith.constant 0 : i32
    return %c0_i32, %c0_i32_0 : i32, i32
  }
  func.func @transform_7(%arg0: i32) -> (i32, i32) {
    %c0_i32 = arith.constant 0 : i32
    %c0_i32_0 = arith.constant 0 : i32
    return %arg0, %c0_i32 : i32, i32
  }
}

module attributes {stable_mosaic.version = 14 : i64} {
  func.func @_decoder_body(%arg0: i32, %arg1: memref<2000x128xf32, #tpu.memory_space<vmem>>, %arg2: memref<64x256xf32, #tpu.memory_space<vmem>>, %arg3: memref<1x256xf32, #tpu.memory_space<vmem>>, %arg4: memref<256x256xf32, #tpu.memory_space<vmem>>, %arg5: memref<1x256xf32, #tpu.memory_space<vmem>>, %arg6: memref<256x8xf32, #tpu.memory_space<vmem>>, %arg7: memref<1x8xf32, #tpu.memory_space<vmem>>, %arg8: memref<2000x8xf32, #tpu.memory_space<vmem>>) attributes {dimension_semantics = [#tpu.dimension_semantics<arbitrary>], iteration_bounds = array<i64: 25>, scalar_prefetch = 0 : i64, scratch_operands = 0 : i64, tpu.core_type = #tpu.core_type<tc>, window_params = [{transform_indices = @transform_0, window_bounds = array<i64: 2000, 128>}, {pipeline_mode = #tpu.pipeline_mode<synchronous>, transform_indices = @transform_1, window_bounds = array<i64: 64, 256>}, {pipeline_mode = #tpu.pipeline_mode<synchronous>, transform_indices = @transform_2, window_bounds = array<i64: 1, 256>}, {pipeline_mode = #tpu.pipeline_mode<synchronous>, transform_indices = @transform_3, window_bounds = array<i64: 256, 256>}, {pipeline_mode = #tpu.pipeline_mode<synchronous>, transform_indices = @transform_4, window_bounds = array<i64: 1, 256>}, {pipeline_mode = #tpu.pipeline_mode<synchronous>, transform_indices = @transform_5, window_bounds = array<i64: 256, 8>}, {pipeline_mode = #tpu.pipeline_mode<synchronous>, transform_indices = @transform_6, window_bounds = array<i64: 1, 8>}, {transform_indices = @transform_7, window_bounds = array<i64: 2000, 8>}]} {
    %get3A = arith.constant 0 : index
    %get3A_0 = arith.constant 0 : index
    %get3A_1 = vector.load %arg1[%get3A, %get3A_0] : memref<2000x128xf32, #tpu.memory_space<vmem>>, vector<2000x64xf32>
    %get3A_2 = arith.constant 0 : index
    %get3A_3 = arith.constant 0 : index
    %get3A_4 = vector.load %arg2[%get3A_2, %get3A_3] : memref<64x256xf32, #tpu.memory_space<vmem>>, vector<64x256xf32>
    %dot_general3A = arith.constant dense<0.000000e+00> : vector<2000x256xf32>
    %dot_general3A_5 = tpu.matmul %get3A_1, %get3A_4, %dot_general3A {dimension_numbers = #tpu.dot_dimension_numbers<[1], [0], [0], [1], [0, 0, 1, 1], [], []>, transpose_lhs_hint = false} : vector<2000x64xf32>, vector<64x256xf32>, vector<2000x256xf32> -> vector<2000x256xf32>
    %get3A_6 = arith.constant 0 : index
    %get3A_7 = arith.constant 0 : index
    %get3A_8 = vector.load %arg3[%get3A_6, %get3A_7] : memref<1x256xf32, #tpu.memory_space<vmem>>, vector<1x256xf32>
    %add3A = vector.broadcast %get3A_8 : vector<1x256xf32> to vector<2000x256xf32>
    %add3A_9 = arith.addf %dot_general3A_5, %add3A : vector<2000x256xf32>
    %max3A = arith.constant 0.000000e+00 : f32
    %max3A_10 = vector.broadcast %max3A : f32 to vector<2000x256xf32>
    %max3A_11 = arith.maximumf %add3A_9, %max3A_10 : vector<2000x256xf32>
    %get3A_12 = arith.constant 0 : index
    %get3A_13 = arith.constant 0 : index
    %get3A_14 = vector.load %arg4[%get3A_12, %get3A_13] : memref<256x256xf32, #tpu.memory_space<vmem>>, vector<256x256xf32>
    %dot_general3A_15 = arith.constant dense<0.000000e+00> : vector<2000x256xf32>
    %dot_general3A_16 = tpu.matmul %max3A_11, %get3A_14, %dot_general3A_15 {dimension_numbers = #tpu.dot_dimension_numbers<[1], [0], [0], [1], [0, 0, 1, 1], [], []>, transpose_lhs_hint = false} : vector<2000x256xf32>, vector<256x256xf32>, vector<2000x256xf32> -> vector<2000x256xf32>
    %get3A_17 = arith.constant 0 : index
    %get3A_18 = arith.constant 0 : index
    %get3A_19 = vector.load %arg5[%get3A_17, %get3A_18] : memref<1x256xf32, #tpu.memory_space<vmem>>, vector<1x256xf32>
    %add3A_20 = vector.broadcast %get3A_19 : vector<1x256xf32> to vector<2000x256xf32>
    %add3A_21 = arith.addf %dot_general3A_16, %add3A_20 : vector<2000x256xf32>
    %max3A_22 = arith.constant 0.000000e+00 : f32
    %max3A_23 = vector.broadcast %max3A_22 : f32 to vector<2000x256xf32>
    %max3A_24 = arith.maximumf %add3A_21, %max3A_23 : vector<2000x256xf32>
    %get3A_25 = arith.constant 0 : index
    %get3A_26 = arith.constant 0 : index
    %get3A_27 = vector.load %arg6[%get3A_25, %get3A_26] : memref<256x8xf32, #tpu.memory_space<vmem>>, vector<256x8xf32>
    %dot_general3A_28 = arith.constant dense<0.000000e+00> : vector<2000x8xf32>
    %dot_general3A_29 = tpu.matmul %max3A_24, %get3A_27, %dot_general3A_28 {dimension_numbers = #tpu.dot_dimension_numbers<[1], [0], [0], [1], [0, 0, 1, 1], [], []>, transpose_lhs_hint = false} : vector<2000x256xf32>, vector<256x8xf32>, vector<2000x8xf32> -> vector<2000x8xf32>
    %get3A_30 = arith.constant 0 : index
    %get3A_31 = arith.constant 0 : index
    %get3A_32 = vector.load %arg7[%get3A_30, %get3A_31] : memref<1x8xf32, #tpu.memory_space<vmem>>, vector<1x8xf32>
    %add3A_33 = vector.broadcast %get3A_32 : vector<1x8xf32> to vector<2000x8xf32>
    %add3A_34 = arith.addf %dot_general3A_29, %add3A_33 : vector<2000x8xf32>
    %swap3A = arith.constant 0 : index
    %swap3A_35 = arith.constant 0 : index
    %swap3A_36 = vector.load %arg8[%swap3A, %swap3A_35] : memref<2000x8xf32, #tpu.memory_space<vmem>>, vector<2000x8xf32>
    tpu.vector_store %arg8[%swap3A, %swap3A_35], %add3A_34 {strides = array<i32>} : memref<2000x8xf32, #tpu.memory_space<vmem>>, vector<2000x8xf32>,
    return
  }
  func.func @transform_0(%arg0: i32) -> (i32, i32) {
    %c0_i32 = arith.constant 0 : i32
    %c0_i32_0 = arith.constant 0 : i32
    return %arg0, %c0_i32 : i32, i32
  }
  func.func @transform_1(%arg0: i32) -> (i32, i32) {
    %c0_i32 = arith.constant 0 : i32
    %c0_i32_0 = arith.constant 0 : i32
    %c0_i32_1 = arith.constant 0 : i32
    return %c0_i32, %c0_i32_0 : i32, i32
  }
  func.func @transform_2(%arg0: i32) -> (i32, i32) {
    %c0_i32 = arith.constant 0 : i32
    %c0_i32_0 = arith.constant 0 : i32
    %c0_i32_1 = arith.constant 0 : i32
    return %c0_i32, %c0_i32_0 : i32, i32
  }
  func.func @transform_3(%arg0: i32) -> (i32, i32) {
    %c0_i32 = arith.constant 0 : i32
    %c0_i32_0 = arith.constant 0 : i32
    %c0_i32_1 = arith.constant 0 : i32
    return %c0_i32, %c0_i32_0 : i32, i32
  }
  func.func @transform_4(%arg0: i32) -> (i32, i32) {
    %c0_i32 = arith.constant 0 : i32
    %c0_i32_0 = arith.constant 0 : i32
    %c0_i32_1 = arith.constant 0 : i32
    return %c0_i32, %c0_i32_0 : i32, i32
  }
  func.func @transform_5(%arg0: i32) -> (i32, i32) {
    %c0_i32 = arith.constant 0 : i32
    %c0_i32_0 = arith.constant 0 : i32
    %c0_i32_1 = arith.constant 0 : i32
    return %c0_i32, %c0_i32_0 : i32, i32
  }
  func.func @transform_6(%arg0: i32) -> (i32, i32) {
    %c0_i32 = arith.constant 0 : i32
    %c0_i32_0 = arith.constant 0 : i32
    %c0_i32_1 = arith.constant 0 : i32
    return %c0_i32, %c0_i32_0 : i32, i32
  }
  func.func @transform_7(%arg0: i32) -> (i32, i32) {
    %c0_i32 = arith.constant 0 : i32
    %c0_i32_0 = arith.constant 0 : i32
    return %arg0, %c0_i32 : i32, i32
  }
}

</mosaic_0001>

<sc_bundles>
// kernel: closed_call.18.cloned.1.call-start
scs
__scs_entry_jumppad:
0x0: {  	(pc) =	sbr.rel $0x88, $3  }
0x1: {  	(tag) =	ssettag $0x0;
	lr =	simm.s32 $0x1  }
0x2: {  	[smem:$0x3F84] =	sst lr;
	_ =	strace $0xD0000000  }
0x3: {  	_ = 	snop  }
0x4: {  	_ = 	snop  }
0x5: {  	_ = 	snop  }
0x6: {  	_ = 	snop  }
0x7: {  	_ = 	snop  }
__scs_overlays_trampoline_lowered:
0x8: {  	[smem:$0x3F93] =	sst s0  }
0x9: {  	[smem:$0x3F94] =	sst s1  }
0xa: {  	[smem:$0x3F95] =	sst s2  }
0xb: {  	[smem:$0x3F96] =	sst s3  }
0xc: {  	[smem:$0x3F97] =	sst s4  }
0xd: {  	[smem:$0x3F98] =	sst s5  }
0xe: {  	[smem:$0x3F99] =	sst s6  }
0xf: {  	[smem:$0x3F9A] =	sst s7  }
0x10: {  	[smem:$0x3F9B] =	sst s8  }
0x11: {  	[smem:$0x3F9C] =	sst s9;
	s0 =	simm.s32 @!p0 $0x0  }
0x12: {  	s1 =	sld [smem:$0x3F82];
	s0 =	simm.s32 @p0 $0x1  }
0x13: {  	[smem:$0x3F9D] =	sst s0;
	s0 =	simm.s32 @!p1 $0x0  }
0x14: {  	s2 =	sld [smem:$0x3F81];
	s0 =	simm.s32 @p1 $0x1  }
0x15: {  	[smem:$0x3F9E] =	sst s0;
	s0 =	simm.s32 @!p2 $0x0  }
0x16: {  	s3 =	sld [smem:$0x3FDB];
	s0 =	simm.s32 @p2 $0x1  }
0x17: {  	s4 =	simm.s32 $0x1BF5;
	[smem:$0x3FA0] =	sst s0  }
0x18: {  	s0 =	sld [smem:$0x3F83];
	_ =	swait.ge [sflag:s4], $0x0  }
0x19: {  	s7 =	sld [smem:$0x3F84]  }
0x1a: {  	s8 =	sadd.s32 $0xFFFFE003, lr  }
0x1b: {  	s9 =	sadd.s32 $0xFFFFFEF7, lr;
	s5 =	simm.s32 $0xFFFFFFFF;
	p2 =	slt.u32 s8, $0xFFFFF086  }
0x1c: {  	p1 =	slt.u32 s9, $0xF7A;
	s5 =	simm.s32 @!p2 $0x0  }
0x1d: {  	s5 =	simm.s32 @p1 $0x1;
	p0 =	seq.s32 s7, s2  }
0x1e: {  	s7 =	smul.u32 @!p0 $0xF7A, s2;
	p2 =	seq.s32 @!p0 s5, $0x0  }
0x1f: {  	s9 =	smul.u32 $0xF7A, s1;
	s8 =	simm.s32 @!p0 $0x1BF5;
	p2 =	por !p2, p0  }
0x20: {  	[sflag:s8] =	ssyncset.s32 @!p0 $0xFFFFF086;
	s6 =	sadd.s32 @!p0 s3, s7;
	s7 =	simm.s32 @!p0 $0x108  }
0x21: {  	s3 =	sadd.s32 s3, s9;
	s6 =	sadd.s32 @!p0 $0x88, s6;
	s7 =	simm.s32 @p2 $0x1082  }
0x22: {  	[simem:s7], [sflag:s8] =	dma.local @!p0 [hbm:s6], $0xF7A  }
0x23: {  	s9 =	sor.u32 $0xD0000000, s2;
	s6 =	simm.s32 $0x108;
	_ =	swait.ge @!p0 [sflag:s8], $0x0  }
0x24: {  	s3 =	sadd.s32 $0x88, s3;
	s6 =	simm.s32 @!p1 $0x1082;
	[sflag:s4] =	ssyncset.s32 $0xFFFFF086  }
0x25: {  	[simem:s6], [sflag:s4] =	dma.local [hbm:s3], $0xF7A  }
0x26: {  	[smem:$0x3F84] =	sst s1;
	(tag) =	ssettag s2;
	_ =	strace s9  }
0x27: {  	s1 =	sld [smem:$0x3F94]  }
0x28: {  	s2 =	sld [smem:$0x3F95]  }
0x29: {  	s4 =	sld [smem:$0x3F97]  }
0x2a: {  	p0 =	seq.s32 s5, $0x0;
	s5 =	sld [smem:$0x3F98]  }
0x2b: {  	s6 =	sld [smem:$0x3F99]  }
0x2c: {  	s7 =	sld [smem:$0x3F9A]  }
0x2d: {  	s3 =	simm.s32 $0x108;
	s8 =	sld [smem:$0x3F9B]  }
0x2e: {  	s3 =	simm.s32 @!p0 $0x1082;
	s9 =	sld [smem:$0x3F9C]  }
0x2f: {  	lr =	sadd.s32 s0, s3;
	s0 =	sld [smem:$0x3F93]  }
0x30: {  	s3 =	sld [smem:$0x3F96]  }
0x31: {  	[smem:$0x3F9F] =	sst s10  }
0x32: {  	s10 =	sld [smem:$0x3F9D];
	_ =	sdelay $0x3  }
0x33: {  	p0 =	seq.s32 s10, $0x1;
	s10 =	sld [smem:$0x3F9F];
	_ =	sdelay $0x3  }
0x34: {  	[smem:$0x3F9F] =	sst s10  }
0x35: {  	s10 =	sld [smem:$0x3F9E];
	_ =	sdelay $0x3  }
0x36: {  	p1 =	seq.s32 s10, $0x1;
	s10 =	sld [smem:$0x3F9F];
	_ =	sdelay $0x3  }
0x37: {  	[smem:$0x3F9F] =	sst s10  }
0x38: {  	s10 =	sld [smem:$0x3FA0]  }
0x39: {  	_ = 	snop;
	(pc) =	sbr.ind lr, $3  }
0x3a: {  	_ = 	snop  }
0x3b: {  	_ = 	snop  }
0x3c: {  	p2 =	seq.s32 s10, $0x1;
	s10 =	sld [smem:$0x3F9F]  }
0x3d: {  	_ =	shalt  }
0x3e: {  	_ =	shalt  }
0x3f: {  	_ =	shalt  }
0x40: {  	_ =	shalt  }
0x41: {  	_ =	shalt  }
0x42: {  	_ =	shalt  }
0x43: {  	_ =	shalt  }
0x44: {  	_ =	shalt  }
0x45: {  	_ =	shalt  }
0x46: {  	_ =	shalt  }
0x47: {  	_ =	shalt  }
0x48: {  	_ =	shalt  }
0x49: {  	_ =	shalt  }
0x4a: {  	_ =	shalt  }
0x4b: {  	_ =	shalt  }
0x4c: {  	_ =	shalt  }
0x4d: {  	_ =	shalt  }
0x4e: {  	_ =	shalt  }
0x4f: {  	_ =	shalt  }
0x50: {  	_ =	shalt  }
0x51: {  	_ =	shalt  }
0x52: {  	_ =	shalt  }
0x53: {  	_ =	shalt  }
0x54: {  	_ =	shalt  }
0x55: {  	_ =	shalt  }
0x56: {  	_ =	shalt  }
0x57: {  	_ =	shalt  }
0x58: {  	_ =	shalt  }
0x59: {  	_ =	shalt  }
0x5a: {  	_ =	shalt  }
0x5b: {  	_ =	shalt  }
0x5c: {  	_ =	shalt  }
0x5d: {  	_ =	shalt  }
0x5e: {  	_ =	shalt  }
0x5f: {  	_ =	shalt  }
0x60: {  	_ =	shalt  }
0x61: {  	_ =	shalt  }
0x62: {  	_ =	shalt  }
0x63: {  	_ =	shalt  }
0x64: {  	_ =	shalt  }
0x65: {  	_ =	shalt  }
0x66: {  	_ =	shalt  }
0x67: {  	_ =	shalt  }
0x68: {  	_ =	shalt  }
0x69: {  	_ =	shalt  }
0x6a: {  	_ =	shalt  }
0x6b: {  	_ =	shalt  }
0x6c: {  	_ =	shalt  }
0x6d: {  	_ =	shalt  }
0x6e: {  	_ =	shalt  }
0x6f: {  	_ =	shalt  }
0x70: {  	_ =	shalt  }
0x71: {  	_ =	shalt  }
0x72: {  	_ =	shalt  }
0x73: {  	_ =	shalt  }
0x74: {  	_ =	shalt  }
0x75: {  	_ =	shalt  }
0x76: {  	_ =	shalt  }
0x77: {  	_ =	shalt  }
0x78: {  	_ =	shalt  }
0x79: {  	_ =	shalt  }
0x7a: {  	_ =	shalt  }
0x7b: {  	_ =	shalt  }
0x7c: {  	_ =	shalt  }
0x7d: {  	_ =	shalt  }
0x7e: {  	_ =	shalt  }
0x7f: {  	_ =	shalt  }
0x80: {  	_ =	shalt  }
0x81: {  	_ =	shalt  }
0x82: {  	_ =	shalt  }
0x83: {  	_ =	shalt  }
0x84: {  	_ =	shalt  }
0x85: {  	_ =	shalt  }
0x86: {  	_ =	shalt  }
0x87: {  	_ =	shalt  }
.Lfunc_end0:
.L_simem_size_0:
called_computation.1_lowered:
.L_overlay_start_0:
0x88: {  	s2 =	sld [smem:$0x3FD9]  }
0x89: {  	s3 =	sld [smem:$0x3FFE];
	_ =	sdelay $0x1  }
0x8a: {  	s1 =	srdreg.scid  }
0x8b: {  	s0 =	sand.u32 $0x1, s1  }
0x8c: {  	s16 =	sshll.u32 s0, $0xA;
	s2 =	sadd.s32 s3, s2  }
0x8d: {  	s2 =	sadd.s32 s2, s16  }
0x8e: {  	[smem:$0x3FAB] =	sst s2  }
0x8f: {  	_ = 	snop  }
0x90: {  	(tm) =	ssettm $0x1  }
0x91: {  	s17 =	sld [smem:$0x3FFB];
	_ =	sdelay $0x3  }
0x92: {  	_ =	strace s17  }
0x93: {  	s2 =	sld [smem:$0x3FFC];
	_ =	sdelay $0x3  }
0x94: {  	_ =	strace s2  }
0x95: {  	s2 =	sld [smem:$0x3FFD];
	_ =	sdelay $0x3  }
0x96: {  	_ =	strace s2  }
0x97: {  	_ =	strace $0x8FFFFFFF  }
0x98: {  	s18 =	sld [smem:$0x3FDB];
	_ =	sdelay $0x1  }
0x99: {  	s19 =	simm.s32 $_scs_section_size  }
0x9a: {  	s4 =	simm.s32 $_size__tile_overlayer_lowered;
	s5 =	simm.s32 $_tile_overlayer_lowered  }
0x9b: {  	s22 =	simm.s32 $0x1BFF;
	s21 =	sshll.u32 s5, $0x1;
	s2 =	sadd.s32 s19, s18  }
0x9c: {  	s6 =	simm.s32 $0x0;
	s20 =	sshll.u32 s4, $0x1;
	s4 =	sadd.s32 s21, s2  }
0x9d: {  	[timem:s6], [sflag:s22] =	dma.local [hbm:s4], s20  }
0x9e: {  	_ =	swait.ge [sflag:s22], s20  }
0x9f: {  	s3 =	ssub.s32 $0x0, s20;
	[sflag:s22] =	ssyncset.done $0x0  }
0xa0: {  	[sflag:s22] =	ssyncadd.s32 s3;
	_ =	sdelay $0x1  }
0xa1: {  	s23 =	simm.s32 $0x1B8B  }
0xa2: {  	_ =	swait.ge [sflag:s23], $0x1  }
0xa3: {  	[sflag:s23] =	ssyncset.done $0x0  }
0xa4: {  	s25 =	simm.s32 $0x1B8E;
	s24 =	sld [smem:$0x3FFE];
	[sflag:s23] =	ssyncadd.s32 $0xFFFFFFFF  }
0xa5: {  	s26 =	simm.s32 $execute0_lowered;
	[smem:$0x3FD2] =	sst s25  }
0xa6: {  	s4 =	sshll.u32 s26, $0x1;
	_ =	strace $0x80000046;
	[dreg:$0x1] =	wrdreg $0xFFFFFFFF  }
0xa7: {  	s28 =	simm.s32 $_size_execute0_lowered;
	s2 =	sadd.s32 s2, s4;
	[dreg:$0x0] =	wrdreg $0x0  }
0xa8: {  	s4 =	sshll.u32 s28, $0x1;
	[dreg:$0x2] =	wrdreg s2  }
0xa9: {  	[dreg:$0x3] =	wrdreg s4  }
0xaa: {  	[dreg:$0x4] =	wrdreg $0xC0  }
0xab: {  	_ =	task [dreg:s6], $0x5FFFF  }
0xac: {  	[dreg:$0x1] =	wrdreg $0xFFFFFFFF  }
0xad: {  	[dreg:$0x0] =	wrdreg $0x60  }
0xae: {  	[dreg:$0x2] =	wrdreg s24  }
0xaf: {  	[dreg:$0x3] =	wrdreg $0x9  }
0xb0: {  	_ =	task.clear_ibuf [dreg:s6], $0x4FFFF;
	_ =	strace $0x90000046  }
0xb1: {  	s29 =	simm.s32 $0x9;
	_ =	strace $0x80000048  }
0xb2: {  	_ =	swait.ge [sflag:s29], $0x1  }
0xb3: {  	[sflag:s29] =	ssyncadd.s32 $0xFFFFFFFF  }
0xb4: {  	_ =	strace $0x90000048  }
0xb5: {  	_ =	sfence  }
0xb6: {  	s30 =	sld [smem:$0x0];
	_ =	sdelay $0x2  }
0xb7: {  	s31 =	sshll.u32 s1, $0xD;
	s1 =	sshrl.u32 s1, $0x2  }
0xb8: {  	s3 =	sand.u32 $0x4000, s31;
	s1 =	sadd.s32 s1, s30  }
0xb9: {  	s0 =	sor.u32 s3, s0;
	s1 =	sshll.u32 s1, $0x11  }
0xba: {  	s0 =	sor.u32 s1, s0  }
0xbb: {  	s0 =	sadd.s32 $0x8F2B, s0  }
0xbc: {  	[sflag:s0] =	ssyncadd.remote.s32 $0x1  }
0xbd: {  	_ =	sfence.sel $0xFFFF  }
0xbe: {  	[dreg:$0x0] =	wrdreg $0xFFFFFFFF;
	(pc) =	sbr.abs _section_cstart, $3  }
0xbf: {  	[dreg:$0x1] =	wrdreg $0xFFFFFFFF  }
0xc0: {  	_ =	task.clear_ibuf [dreg:s6], $0x2FFFF;
	_ =	strace $0x9FFFFFFF  }
0xc1: {  	(tm) =	ssettm $0x7FFFFFFF  }
tec
execute0_lowered:
.L_overlay_start_1:
0x0: {  	(tag) =	ssettag $0x1  }
0x1: {  	s5 =	rddreg [dreg:$0x0]  }
0x2: {  	s0 =	rddreg [dreg:$0x1];
	s3 =	srdreg.scid  }
0x3: {  	s2 =	simm.s32 $0x0;
	s1 =	stileid.u32;
	s11 =	simm.s32 $0x2  }
0x4: {  	s12 =	simm.s32 $0x80;
	s13 =	simm.s32 $0x100;
	s14 =	simm.s32 $0x1  }
0x5: {  	s15 =	simm.s32 $0x4100;
	s16 =	simm.s32 $0x0;
	s6 =	sand.u32 $0x1, s3  }
0x6: {  	[smem:$0x7FF] =	sst s2;
	s4 =	sshll.u32 s1, $0x8;
	s3 =	sadd.s32 $0xD2FC00, s5  }
0x7: {  	s8 =	sshll.u32 s1, $0xC;
	p0 =	slt.u32 s1, $0x5;
	s7 =	sshll.u32 s6, $0x7  }
0x8: {  	_ =	strace $0x80000047;
	s8 =	sadd.s32 s8, s5;
	s9 =	ssub.s32 $0x2, s6  }
0x9: {  	s31 =	sshll.u32 s6, $0xB;
	s7 =	sor.u32 s7, s4;
	s10 =	sshrl.u32 s9, $0x1  }
0xa: {  	s4 =	sadd.s32 $0xDF3200, s5;
	s7 =	sshrl.u32 s7, $0x3;
	s9 =	ssub.s32 s9, s10  }
0xb: {  	s10 =	sadd.s32 s31, s8;
	s7 =	sadd.s32 s7, s5;
	s5 =	simm.s32 $0xC4  }
0xc: {  	s8 =	smax.u32 s9, $0x1;
	s9 =	sadd.s32 $0xEB6800, s10;
	s10 =	sadd.s32 $0x1AEB800, s10  }
0xd: {  	s5 =	simm.s32 @!p0 $0xC3;
	s6 =	sadd.s32 $0xC3A600, s7;
	s7 =	sadd.s32 $0xC52E00, s7  }
.LBB2_1:
0xe: {  	[tilespmem:s2], [sflag:$0x2] =	stream.linear.gather [hbm4b:s7+s2], $0x80, $0x38;
	[tilespmem:$0x8100] =	vst v63  }
0xf: {  	_ =	swait.ge [sflag:s11], $0x80  }
0x10: {  	[sflag:s11] =	ssyncset.done $0x0  }
0x11: {  	[sflag:s11] =	ssyncadd.s32 $0xFFFFFF80  }
0x12: {  	[tilespmem:s12], [sflag:$0x2] =	stream.linear.gather [hbm4b:s6+s2], $0x80, $0x38;
	[tilespmem:$0x8100] =	vst v63  }
0x13: {  	_ =	swait.ge [sflag:s11], $0x80  }
0x14: {  	[sflag:s11] =	ssyncset.done $0x0  }
0x15: {  	[sflag:s11] =	ssyncadd.s32 $0xFFFFFF80  }
0x16: {  	[tilespmem:s13], [sflag:$0x1] =	stream.indirect.gather [hbm4b:s3+s12], $0x80, s2, s12, $0xb8;
	[tilespmem:$0x8100] =	vst v63  }
0x17: {  	_ =	swait.ge [sflag:s14], $0x4000  }
0x18: {  	[sflag:s14] =	ssyncset.done $0x0  }
0x19: {  	[sflag:s14] =	ssyncadd.s32 $0xFFFFC000  }
0x1a: {  	[tilespmem:s15], [sflag:$0x1] =	stream.indirect.gather [hbm4b:s4+s12], $0x80, s12, s12, $0xb8;
	[tilespmem:$0x8100] =	vst v63  }
0x1b: {  	_ =	swait.ge [sflag:s14], $0x4000  }
0x1c: {  	[sflag:s14] =	ssyncset.done $0x0  }
0x1d: {  	[sflag:s14] =	ssyncadd.s32 $0xFFFFC000  }
0x1e: {  	[hbm4b:s9+s2] =	stream.linear.scatter [tilespmem:s13], [sflag:$0x2], $0x4000, $0x38;
	[tilespmem:$0x8100] =	vst v63  }
0x1f: {  	p0 =	sne.s32 s5, $0x1;
	_ =	swait.ge [sflag:s11], $0x4000  }
.Ltmp0:
0x20: {  	[sflag:s11] =	ssyncset.done $0x0;
	(pc) =	sbr.rel @!p0 .LBB2_3-.Ltmp0, $4  }
0x21: {  	s17 =	sadd.s32 $0xFFFFFFFF, s5;
	[sflag:s11] =	ssyncadd.s32 $0xFFFFC000  }
0x22: {  	[hbm4b:s10+s2] =	stream.linear.scatter [tilespmem:s15], [sflag:$0x2], $0x4000, $0x38;
	[tilespmem:$0x8100] =	vst v63  }
0x23: {  	s18 =	sadd.s32 $0x10000, s9;
	s19 =	sadd.s32 $0x10000, s10;
	_ =	swait.ge [sflag:s11], $0x4000  }
0x24: {  	s20 =	smov.u32 s6;
	s21 =	smov.u32 s7;
	[sflag:s11] =	ssyncset.done $0x0  }
.LBB2_2:
0x25: {  	[sflag:s11] =	ssyncadd.s32 $0xFFFFC000;
	s20 =	sadd.s32 $0x200, s20;
	s21 =	sadd.s32 $0x200, s21  }
0x26: {  	[tilespmem:s2], [sflag:$0x2] =	stream.linear.gather [hbm4b:s21+s2], $0x80, $0x38;
	[tilespmem:$0x8100] =	vst v63  }
0x27: {  	p0 =	sne.s32 s17, $0x1;
	s17 =	sadd.s32 $0xFFFFFFFF, s17;
	_ =	swait.ge [sflag:s11], $0x80  }
0x28: {  	[sflag:s11] =	ssyncset.done $0x0  }
0x29: {  	[sflag:s11] =	ssyncadd.s32 $0xFFFFFF80  }
0x2a: {  	[tilespmem:s12], [sflag:$0x2] =	stream.linear.gather [hbm4b:s20+s2], $0x80, $0x38;
	[tilespmem:$0x8100] =	vst v63  }
0x2b: {  	_ =	swait.ge [sflag:s11], $0x80  }
0x2c: {  	[sflag:s11] =	ssyncset.done $0x0  }
0x2d: {  	[sflag:s11] =	ssyncadd.s32 $0xFFFFFF80  }
0x2e: {  	[tilespmem:s13], [sflag:$0x1] =	stream.indirect.gather [hbm4b:s3+s12], $0x80, s2, s12, $0xb8;
	[tilespmem:$0x8100] =	vst v63  }
0x2f: {  	_ =	swait.ge [sflag:s14], $0x4000  }
0x30: {  	[sflag:s14] =	ssyncset.done $0x0  }
0x31: {  	[sflag:s14] =	ssyncadd.s32 $0xFFFFC000  }
0x32: {  	[tilespmem:s15], [sflag:$0x1] =	stream.indirect.gather [hbm4b:s4+s12], $0x80, s12, s12, $0xb8;
	[tilespmem:$0x8100] =	vst v63  }
0x33: {  	_ =	swait.ge [sflag:s14], $0x4000  }
0x34: {  	[sflag:s14] =	ssyncset.done $0x0  }
0x35: {  	[sflag:s14] =	ssyncadd.s32 $0xFFFFC000  }
0x36: {  	[hbm4b:s18+s2] =	stream.linear.scatter [tilespmem:s13], [sflag:$0x2], $0x4000, $0x38;
	[tilespmem:$0x8100] =	vst v63  }
0x37: {  	_ =	swait.ge [sflag:s11], $0x4000  }
.Ltmp1:
0x38: {  	[sflag:s11] =	ssyncset.done $0x0;
	(pc) =	sbr.rel @p0 .LBB2_2-.Ltmp1, $4  }
0x39: {  	[sflag:s11] =	ssyncadd.s32 $0xFFFFC000  }
0x3a: {  	[hbm4b:s19+s2] =	stream.linear.scatter [tilespmem:s15], [sflag:$0x2], $0x4000, $0x38;
	[tilespmem:$0x8100] =	vst v63  }
0x3b: {  	_ =	swait.ge [sflag:s11], $0x4000  }
0x3c: {  	s18 =	sadd.s32 $0x10000, s18;
	s19 =	sadd.s32 $0x10000, s19;
	[sflag:s11] =	ssyncset.done $0x0  }
.LBB2_3:
0x3d: {  	s16 =	sadd.s32 $0x1, s16  }
0x3e: {  	p0 =	sne.s32 s16, s8  }
.Ltmp2:
0x3f: {  	_ = 	snop;
	(pc) =	sbr.rel @p0 .LBB2_1-.Ltmp2, $2  }
0x40: {  	_ =	sdelay $0x2  }
0x41: {  	[sflag:s11] =	ssyncadd.s32 $0xFFFFC000  }
0x42: {  	_ =	sfence.sel $0x180000  }
0x43: {  	[bflag:$0x0] =	sbarrier.arrive $0xFFFF  }
0x44: {  	p0 =	sne.s32 s1, $0x0;
	_ =	strace $0x90000047  }
0x45: {  	s0 =	sadd.s32 @!p0 $0x100000, s0;
	[bflag:$0x2] =	sbarrier.arrive $0xFFFF  }
0x46: {  	[sflag:s0] =	ssyncadd.tile.s32 @!p0 $0x1;
	_ =	shalt  }
.Lfunc_end2:
_tile_overlayer_lowered:
.L_overlay_start_2:
0x47: {  	(tag) =	ssettag $0x2  }
0x48: {  	s0 =	rddreg [dreg:$0x0];
	s2 =	stileid.u32  }
0x49: {  	s1 =	rddreg [dreg:$0x1];
	p0 =	sne.s32 s2, $0x0  }
0x4a: {  	s3 =	rddreg [dreg:$0x2];
	[bflag:$0x3] =	sbarrier.arrive $0xFFFF;
	s2 =	simm.s32 @!p0 $0x1C02  }
0x4b: {  	[timem:s3], [sflag:s2] =	dma.local @!p0 [hbm:s0], s1  }
0x4c: {  	s0 =	simm.s32 @!p0 $0x2  }
0x4d: {  	_ =	swait.ge @!p0 [sflag:s0], s1  }
0x4e: {  	s1 =	ssub.s32 @!p0 $0x0, s1;
	[sflag:s0] =	ssyncset.done @!p0 $0x0  }
0x4f: {  	[sflag:s0] =	ssyncadd.s32 @!p0 s1  }
0x50: {  	[bflag:$0x3] =	sbarrier.arrive $0xFFFF  }
0x51: {  	_ =	shalt  }

// kernel: scatter_offload_async_start.2
scs
__scs_entry_jumppad:
0x0: {  	(pc) =	sbr.rel $0x88, $3  }
0x1: {  	(tag) =	ssettag $0x0;
	lr =	simm.s32 $0x1  }
0x2: {  	[smem:$0x3F84] =	sst lr;
	_ =	strace $0xD0000000  }
0x3: {  	_ = 	snop  }
0x4: {  	_ = 	snop  }
0x5: {  	_ = 	snop  }
0x6: {  	_ = 	snop  }
0x7: {  	_ = 	snop  }
__scs_overlays_trampoline_lowered:
0x8: {  	[smem:$0x3F93] =	sst s0  }
0x9: {  	[smem:$0x3F94] =	sst s1  }
0xa: {  	[smem:$0x3F95] =	sst s2  }
0xb: {  	[smem:$0x3F96] =	sst s3  }
0xc: {  	[smem:$0x3F97] =	sst s4  }
0xd: {  	[smem:$0x3F98] =	sst s5  }
0xe: {  	[smem:$0x3F99] =	sst s6  }
0xf: {  	[smem:$0x3F9A] =	sst s7  }
0x10: {  	[smem:$0x3F9B] =	sst s8  }
0x11: {  	[smem:$0x3F9C] =	sst s9;
	s0 =	simm.s32 @!p0 $0x0  }
0x12: {  	s1 =	sld [smem:$0x3F82];
	s0 =	simm.s32 @p0 $0x1  }
0x13: {  	[smem:$0x3F9D] =	sst s0;
	s0 =	simm.s32 @!p1 $0x0  }
0x14: {  	s2 =	sld [smem:$0x3F81];
	s0 =	simm.s32 @p1 $0x1  }
0x15: {  	[smem:$0x3F9E] =	sst s0;
	s0 =	simm.s32 @!p2 $0x0  }
0x16: {  	s3 =	sld [smem:$0x3FDB];
	s0 =	simm.s32 @p2 $0x1  }
0x17: {  	s4 =	simm.s32 $0x1BF5;
	[smem:$0x3FA0] =	sst s0  }
0x18: {  	s0 =	sld [smem:$0x3F83];
	_ =	swait.ge [sflag:s4], $0x0  }
0x19: {  	s7 =	sld [smem:$0x3F84]  }
0x1a: {  	s8 =	sadd.s32 $0xFFFFE003, lr  }
0x1b: {  	s9 =	sadd.s32 $0xFFFFFEF7, lr;
	s5 =	simm.s32 $0xFFFFFFFF;
	p2 =	slt.u32 s8, $0xFFFFF086  }
0x1c: {  	p1 =	slt.u32 s9, $0xF7A;
	s5 =	simm.s32 @!p2 $0x0  }
0x1d: {  	s5 =	simm.s32 @p1 $0x1;
	p0 =	seq.s32 s7, s2  }
0x1e: {  	s7 =	smul.u32 @!p0 $0xF7A, s2;
	p2 =	seq.s32 @!p0 s5, $0x0  }
0x1f: {  	s9 =	smul.u32 $0xF7A, s1;
	s8 =	simm.s32 @!p0 $0x1BF5;
	p2 =	por !p2, p0  }
0x20: {  	[sflag:s8] =	ssyncset.s32 @!p0 $0xFFFFF086;
	s6 =	sadd.s32 @!p0 s3, s7;
	s7 =	simm.s32 @!p0 $0x108  }
0x21: {  	s3 =	sadd.s32 s3, s9;
	s6 =	sadd.s32 @!p0 $0x88, s6;
	s7 =	simm.s32 @p2 $0x1082  }
0x22: {  	[simem:s7], [sflag:s8] =	dma.local @!p0 [hbm:s6], $0xF7A  }
0x23: {  	s9 =	sor.u32 $0xD0000000, s2;
	s6 =	simm.s32 $0x108;
	_ =	swait.ge @!p0 [sflag:s8], $0x0  }
0x24: {  	s3 =	sadd.s32 $0x88, s3;
	s6 =	simm.s32 @!p1 $0x1082;
	[sflag:s4] =	ssyncset.s32 $0xFFFFF086  }
0x25: {  	[simem:s6], [sflag:s4] =	dma.local [hbm:s3], $0xF7A  }
0x26: {  	[smem:$0x3F84] =	sst s1;
	(tag) =	ssettag s2;
	_ =	strace s9  }
0x27: {  	s1 =	sld [smem:$0x3F94]  }
0x28: {  	s2 =	sld [smem:$0x3F95]  }
0x29: {  	s4 =	sld [smem:$0x3F97]  }
0x2a: {  	p0 =	seq.s32 s5, $0x0;
	s5 =	sld [smem:$0x3F98]  }
0x2b: {  	s6 =	sld [smem:$0x3F99]  }
0x2c: {  	s7 =	sld [smem:$0x3F9A]  }
0x2d: {  	s3 =	simm.s32 $0x108;
	s8 =	sld [smem:$0x3F9B]  }
0x2e: {  	s3 =	simm.s32 @!p0 $0x1082;
	s9 =	sld [smem:$0x3F9C]  }
0x2f: {  	lr =	sadd.s32 s0, s3;
	s0 =	sld [smem:$0x3F93]  }
0x30: {  	s3 =	sld [smem:$0x3F96]  }
0x31: {  	[smem:$0x3F9F] =	sst s10  }
0x32: {  	s10 =	sld [smem:$0x3F9D];
	_ =	sdelay $0x3  }
0x33: {  	p0 =	seq.s32 s10, $0x1;
	s10 =	sld [smem:$0x3F9F];
	_ =	sdelay $0x3  }
0x34: {  	[smem:$0x3F9F] =	sst s10  }
0x35: {  	s10 =	sld [smem:$0x3F9E];
	_ =	sdelay $0x3  }
0x36: {  	p1 =	seq.s32 s10, $0x1;
	s10 =	sld [smem:$0x3F9F];
	_ =	sdelay $0x3  }
0x37: {  	[smem:$0x3F9F] =	sst s10  }
0x38: {  	s10 =	sld [smem:$0x3FA0]  }
0x39: {  	_ = 	snop;
	(pc) =	sbr.ind lr, $3  }
0x3a: {  	_ = 	snop  }
0x3b: {  	_ = 	snop  }
0x3c: {  	p2 =	seq.s32 s10, $0x1;
	s10 =	sld [smem:$0x3F9F]  }
0x3d: {  	_ =	shalt  }
0x3e: {  	_ =	shalt  }
0x3f: {  	_ =	shalt  }
0x40: {  	_ =	shalt  }
0x41: {  	_ =	shalt  }
0x42: {  	_ =	shalt  }
0x43: {  	_ =	shalt  }
0x44: {  	_ =	shalt  }
0x45: {  	_ =	shalt  }
0x46: {  	_ =	shalt  }
0x47: {  	_ =	shalt  }
0x48: {  	_ =	shalt  }
0x49: {  	_ =	shalt  }
0x4a: {  	_ =	shalt  }
0x4b: {  	_ =	shalt  }
0x4c: {  	_ =	shalt  }
0x4d: {  	_ =	shalt  }
0x4e: {  	_ =	shalt  }
0x4f: {  	_ =	shalt  }
0x50: {  	_ =	shalt  }
0x51: {  	_ =	shalt  }
0x52: {  	_ =	shalt  }
0x53: {  	_ =	shalt  }
0x54: {  	_ =	shalt  }
0x55: {  	_ =	shalt  }
0x56: {  	_ =	shalt  }
0x57: {  	_ =	shalt  }
0x58: {  	_ =	shalt  }
0x59: {  	_ =	shalt  }
0x5a: {  	_ =	shalt  }
0x5b: {  	_ =	shalt  }
0x5c: {  	_ =	shalt  }
0x5d: {  	_ =	shalt  }
0x5e: {  	_ =	shalt  }
0x5f: {  	_ =	shalt  }
0x60: {  	_ =	shalt  }
0x61: {  	_ =	shalt  }
0x62: {  	_ =	shalt  }
0x63: {  	_ =	shalt  }
0x64: {  	_ =	shalt  }
0x65: {  	_ =	shalt  }
0x66: {  	_ =	shalt  }
0x67: {  	_ =	shalt  }
0x68: {  	_ =	shalt  }
0x69: {  	_ =	shalt  }
0x6a: {  	_ =	shalt  }
0x6b: {  	_ =	shalt  }
0x6c: {  	_ =	shalt  }
0x6d: {  	_ =	shalt  }
0x6e: {  	_ =	shalt  }
0x6f: {  	_ =	shalt  }
0x70: {  	_ =	shalt  }
0x71: {  	_ =	shalt  }
0x72: {  	_ =	shalt  }
0x73: {  	_ =	shalt  }
0x74: {  	_ =	shalt  }
0x75: {  	_ =	shalt  }
0x76: {  	_ =	shalt  }
0x77: {  	_ =	shalt  }
0x78: {  	_ =	shalt  }
0x79: {  	_ =	shalt  }
0x7a: {  	_ =	shalt  }
0x7b: {  	_ =	shalt  }
0x7c: {  	_ =	shalt  }
0x7d: {  	_ =	shalt  }
0x7e: {  	_ =	shalt  }
0x7f: {  	_ =	shalt  }
0x80: {  	_ =	shalt  }
0x81: {  	_ =	shalt  }
0x82: {  	_ =	shalt  }
0x83: {  	_ =	shalt  }
0x84: {  	_ =	shalt  }
0x85: {  	_ =	shalt  }
0x86: {  	_ =	shalt  }
0x87: {  	_ =	shalt  }
.Lfunc_end0:
.L_simem_size_0:
called_computation_lowered:
.L_overlay_start_0:
0x88: {  	s2 =	sld [smem:$0x3FD9]  }
0x89: {  	s3 =	sld [smem:$0x3FFE];
	_ =	sdelay $0x1  }
0x8a: {  	s1 =	srdreg.scid  }
0x8b: {  	s0 =	sand.u32 $0x1, s1  }
0x8c: {  	s15 =	sshll.u32 s0, $0xA;
	s2 =	sadd.s32 s3, s2  }
0x8d: {  	s2 =	sadd.s32 s2, s15  }
0x8e: {  	[smem:$0x3FAB] =	sst s2  }
0x8f: {  	_ = 	snop  }
0x90: {  	(tm) =	ssettm $0x1  }
0x91: {  	s16 =	sld [smem:$0x3FFB];
	_ =	sdelay $0x3  }
0x92: {  	_ =	strace s16  }
0x93: {  	s2 =	sld [smem:$0x3FFC];
	_ =	sdelay $0x3  }
0x94: {  	_ =	strace s2  }
0x95: {  	s2 =	sld [smem:$0x3FFD];
	_ =	sdelay $0x3  }
0x96: {  	_ =	strace s2  }
0x97: {  	_ =	strace $0x8FFFFFFF  }
0x98: {  	s17 =	sld [smem:$0x3FDB];
	_ =	sdelay $0x1  }
0x99: {  	s18 =	simm.s32 $_scs_section_size  }
0x9a: {  	s4 =	simm.s32 $_size__tile_overlayer_lowered;
	s5 =	simm.s32 $_tile_overlayer_lowered  }
0x9b: {  	s21 =	simm.s32 $0x1BFF;
	s20 =	sshll.u32 s5, $0x1;
	s2 =	sadd.s32 s18, s17  }
0x9c: {  	s6 =	simm.s32 $0x0;
	s19 =	sshll.u32 s4, $0x1;
	s4 =	sadd.s32 s20, s2  }
0x9d: {  	[timem:s6], [sflag:s21] =	dma.local [hbm:s4], s19  }
0x9e: {  	_ =	swait.ge [sflag:s21], s19  }
0x9f: {  	s3 =	ssub.s32 $0x0, s19;
	[sflag:s21] =	ssyncset.done $0x0  }
0xa0: {  	[sflag:s21] =	ssyncadd.s32 s3;
	_ =	sdelay $0x1  }
0xa1: {  	s22 =	simm.s32 $0x1B8B  }
0xa2: {  	_ =	swait.ge [sflag:s22], $0x1  }
0xa3: {  	[sflag:s22] =	ssyncset.done $0x0  }
0xa4: {  	s23 =	sld [smem:$0x3FFE];
	[sflag:s22] =	ssyncadd.s32 $0xFFFFFFFF  }
0xa5: {  	s25 =	simm.s32 $0x1B8E;
	s24 =	sld [smem:$0x0]  }
0xa6: {  	s26 =	simm.s32 $execute0_lowered;
	[smem:$0x3FD2] =	sst s25  }
0xa7: {  	s5 =	sshll.u32 s26, $0x1;
	_ =	strace $0x80000049;
	[dreg:$0x1] =	wrdreg $0xFFFFFFFF  }
0xa8: {  	s28 =	simm.s32 $_size_execute0_lowered;
	s2 =	sadd.s32 s2, s5;
	[dreg:$0x0] =	wrdreg $0x0  }
0xa9: {  	s5 =	sshll.u32 s28, $0x1;
	[dreg:$0x2] =	wrdreg s2  }
0xaa: {  	[dreg:$0x3] =	wrdreg s5  }
0xab: {  	[dreg:$0x4] =	wrdreg $0xC0  }
0xac: {  	_ =	task [dreg:s6], $0x5FFFF  }
0xad: {  	[dreg:$0x1] =	wrdreg $0xFFFFFFFF  }
0xae: {  	[dreg:$0x0] =	wrdreg $0x60  }
0xaf: {  	[dreg:$0x2] =	wrdreg s23  }
0xb0: {  	[dreg:$0x3] =	wrdreg s1  }
0xb1: {  	[dreg:$0x4] =	wrdreg s24  }
0xb2: {  	[dreg:$0x5] =	wrdreg $0x9  }
0xb3: {  	_ =	task.clear_ibuf [dreg:s6], $0x6FFFF;
	_ =	strace $0x90000049  }
0xb4: {  	s29 =	simm.s32 $0x9;
	_ =	strace $0x8000004B  }
0xb5: {  	_ =	swait.ge [sflag:s29], $0x1  }
0xb6: {  	[sflag:s29] =	ssyncadd.s32 $0xFFFFFFFF  }
0xb7: {  	_ =	strace $0x9000004B  }
0xb8: {  	_ =	sfence  }
0xb9: {  	s30 =	sld [smem:$0x0];
	_ =	sdelay $0x2  }
0xba: {  	s31 =	sshll.u32 s1, $0xD;
	s1 =	sshrl.u32 s1, $0x2  }
0xbb: {  	s3 =	sand.u32 $0x4000, s31;
	s1 =	sadd.s32 s1, s30  }
0xbc: {  	s0 =	sor.u32 s3, s0;
	s1 =	sshll.u32 s1, $0x11  }
0xbd: {  	s0 =	sor.u32 s1, s0  }
0xbe: {  	s0 =	sadd.s32 $0x8F2B, s0  }
0xbf: {  	[sflag:s0] =	ssyncadd.remote.s32 $0x1  }
0xc0: {  	_ =	sfence.sel $0xFFFF  }
0xc1: {  	[dreg:$0x0] =	wrdreg $0xFFFFFFFF;
	(pc) =	sbr.abs _section_cstart, $3  }
0xc2: {  	[dreg:$0x1] =	wrdreg $0xFFFFFFFF  }
0xc3: {  	_ =	task.clear_ibuf [dreg:s6], $0x2FFFF;
	_ =	strace $0x9FFFFFFF  }
0xc4: {  	(tm) =	ssettm $0x7FFFFFFF  }
0xc5: {  	_ =	shalt  }
tec
execute0_lowered:
.L_overlay_start_1:
0x0: {  	(tag) =	ssettag $0x1  }
0x1: {  	s2 =	rddreg [dreg:$0x0]  }
0x2: {  	s4 =	rddreg [dreg:$0x1];
	_ =	strace $0x8000004A;
	s0 =	simm.s32 $0x1  }
0x3: {  	s3 =	simm.s32 $0x88;
	v0 =	vimm.s32 $0x0;
	[sflag:s0] =	ssyncpa.u1 $0x0  }
0x4: {  	s1 =	sadd.s32 $0xD2FC00, s2;
	[tilespmem:s3+$0x30] =	vst v0  }
0x5: {  	s0 =	sadd.s32 $0x3355800, s2;
	s6 =	sadd.s32 $0x3386800, s2;
	[tilespmem:s3+$0x20] =	vst v0  }
0x6: {  	s2 =	sadd.s32 $0x336E000, s2;
	s7 =	sand.u32 $0x1, s4;
	s4 =	simm.s32 $0x40;
	[tilespmem:s3+$0x10] =	vst v0  }
.LBB2_1:
0x7: {  	s4 =	sadd.s32 $0x40, s4  }
0x8: {  	[tilespmem:s3+$0x0] =	vst v0;
	s3 =	sadd.s32 $0x40, s3;
	p0 =	slt.u32 s4, $0x5040  }
.Ltmp0:
0x9: {  	(pc) =	sbr.rel @p0 .LBB2_1-.Ltmp0, $4  }
0xa: {  	_ = 	snop  }
0xb: {  	[tilespmem:s3+$0x30] =	vst v0  }
0xc: {  	[tilespmem:s3+$0x20] =	vst v0  }
0xd: {  	[tilespmem:s3+$0x10] =	vst v0  }
0xe: {  	s8 =	stileid.u32  }
0xf: {  	s4 =	smul.u32 $0x4E, s8  }
0x10: {  	s5 =	smin.u32 s8, $0x2  }
0x11: {  	s4 =	sadd.s32 s5, s4  }
0x12: {  	p0 =	slt.u32 s8, $0x2;
	s12 =	smul.u32 $0x140, s4;
	s4 =	simm.s32 $0x62C0  }
0x13: {  	s4 =	simm.s32 @!p0 $0x6180  }
0x14: {  	s25 =	simm.s32 $0x2;
	s4 =	sadd.s32 s4, s12  }
0x15: {  	s28 =	simm.s32 $0x9;
	s9 =	simm.s32 $0xA;
	s14 =	smin.u32 s4, $0x61A80  }
0x16: {  	s30 =	simm.s32 $0xB;
	[dreg:$0x4] =	wrdreg s7;
	s4 =	ssub.s32 s14, s12  }
0x17: {  	s31 =	smul.u32 $0xC350, s7;
	s13 =	simm.s32 $0x1;
	p0 =	sgt.s32 s4, $0x0  }
0x18: {  	s19 =	simm.s32 $0x0;
	s20 =	simm.s32 $0xA808;
	s4 =	simm.s32 @!p0 $0x0  }
0x19: {  	s21 =	simm.s32 $0xFFFFFFFF;
	p1 =	por $0x0, $0x0;
	s26 =	smulhi.u32 $0x66666667, s4  }
0x1a: {  	[tilespmem:s3+$0x0] =	vst v0;
	s23 =	simm.s32 $0x0;
	[sflag:s25] =	ssyncpa.u1 $0x0;
	s18 =	sshll.u32 s8, $0x7  }
0x1b: {  	s0 =	sadd.s32 s31, s0;
	[dreg:$0xa] =	wrdreg s18;
	s3 =	sshrl.u32 s26, $0x7  }
0x1c: {  	v0 =	vimm.s32 $0xFFFFFFFF;
	s17 =	sadd.s32 s31, s2;
	[dreg:$0x9] =	wrdreg s0;
	s29 =	smul.u32 $0x140, s3  }
0x1d: {  	s25 =	simm.s32 $0x0;
	[tilespmem:$0xA108] =	vst v0;
	[sflag:s28] =	ssyncpa.u1 $0x0;
	[dreg:$0x8] =	wrdreg s17  }
.Ltmp1:
0x1e: {  	p0 =	sne.s32 s4, s29;
	s4 =	simm.s32 $0x1;
	(pc) =	sbr.rel .LBB2_3-.Ltmp1, $4  }
0x1f: {  	[sflag:s9] =	ssyncpa.u1 $0x0;
	[dreg:$0x5] =	wrdreg s12;
	s4 =	simm.s32 @!p0 $0x0  }
0x20: {  	[sflag:s30] =	ssyncpa.u1 $0x0;
	[dreg:$0x6] =	wrdreg s14;
	s15 =	sadd.s32 s4, s3  }
0x21: {  	s24 =	smov.u32 s12;
	s22 =	sadd.s32 $0x1, s15;
	[dreg:$0x7] =	wrdreg s15  }
0x22: {  	v0 =	vlaneseq.u32;
	s26 =	simm.s32 $0x0;
	p0 =	por $0x1, $0x1;
	[dreg:$0xb] =	wrdreg s22  }
.LBB2_22:
0x23: {  	s0 =	sshrl.u32 s3, $0x2  }
.LBB2_24:
0x24: {  	s3 =	simm.s32 $0xC  }
0x25: {  	_ =	swait.ge [sflag:s3], s0  }
0x26: {  	s31 =	ssub.s32 $0x0, s0;
	v1 =	vmov s4;
	vm0 =	veq.s32 v0, $0x0;
	[sflag:s3] =	ssyncset.done $0x0  }
0x27: {  	vm15 =	veq.s32 v0, $0x2;
	v1 =	vsel vm0, s2, v1;
	[sflag:s3] =	ssyncadd.s32 s31  }
0x28: {  	v1 =	vsel vm15, s26, v1;
	[sflag:s3] =	ssyncpa.u1 $0x1  }
0x29: {  	[tilespmem:$0xA108] =	vst v1  }
.LBB2_25:
0x2a: {  	s0 =	sadd.s32 $0x140, s24  }
0x2b: {  	s2 =	smov.u32 s12;
	p2 =	slt.s32 s0, s14  }
0x2c: {  	s2 =	smov.u32 @p2 s0;
	p2 =	sne.s32 s25, s22  }
.Ltmp2:
0x2d: {  	_ = 	snop;
	(pc) =	sbr.rel @!p2 .LBB2_26-.Ltmp2, $4  }
0x2e: {  	_ = 	snop  }
0x2f: {  	s26 =	smov.u32 s23;
	s31 =	sadd.s32 $0x1, s25;
	p0 =	por !p0, !p0  }
0x30: {  	s23 =	smov.u32 s24;
	s20 =	sadd.s32 $0x140, s20;
	s21 =	sadd.s32 $0x1, s21  }
0x31: {  	p1 =	por !p1, !p1;
	s25 =	smov.u32 s31;
	s24 =	smov.u32 s2  }
.LBB2_3:
0x32: {  	p2 =	sge.u32 s25, s15  }
0x33: {  	s0 =	smulhi.u32 @!p2 $0xAAAAAAAB, s25  }
0x34: {  	s2 =	smov.u32 s24;
	p3 =	sgt.s32 @!p2 s24, $0x61940  }
0x35: {  	s3 =	sshra.s32 @!p2 s24, $0x1F;
	p3 =	por !p3, p2;
	s0 =	sshrl.u32 @!p2 s0, $0x1  }
0x36: {  	s3 =	sand.u32 @!p2 s3, s24;
	s2 =	simm.s32 @p3 $0x61940;
	s0 =	smul.u32 @!p2 $0x3, s0  }
0x37: {  	s2 =	ssub.s32 @!p2 s2, s3  }
0x38: {  	s2 =	sadd.s32 @!p2 $0xFFF9E6C0, s2;
	s0 =	ssub.s32 @!p2 s25, s0  }
0x39: {  	s3 =	sshll.u32 @!p2 s2, $0x2;
	p3 =	sgt.s32 @!p2 s2, $0x13F;
	s0 =	smul.u32 @!p2 $0x500, s0  }
0x3a: {  	s4 =	sand.u32 @!p2 $0x7, s24;
	s2 =	ssub.s32 @!p2 $0x500, s3;
	p3 =	por !p3, p2  }
0x3b: {  	s3 =	sshrl.u32 @!p2 s24, $0x3;
	s2 =	sshrl.u32 @!p2 s2, $0x2;
	s0 =	sshrl.u32 @!p2 s0, $0x2  }
0x3c: {  	s3 =	sadd.s32 @!p2 s3, s17;
	s2 =	simm.s32 @!p3 $0x0;
	s0 =	sadd.s32 @!p2 $0xA948, s0  }
0x3d: {  	[tilespmem:s0], [sflag:$0xA] =	stream.linear.gather @!p2 [hbm4b:s3+s4], s2, $0x38;
	[tilespmem:$0x1EF88] =	vst v63  }
0x3e: {  	s0 =	sadd.s32 $0xFFFFFFFF, s25  }
0x3f: {  	p2 =	sge.u32 s0, s15  }
.Ltmp3:
0x40: {  	_ = 	snop;
	(pc) =	sbr.rel @p2 .LBB2_7-.Ltmp3, $1  }
0x41: {  	_ =	sdelay $0x3  }
0x42: {  	p2 =	sgt.s32 s23, $0x61940;
	s2 =	smov.u32 s23;
	s3 =	sshra.s32 s23, $0x1F  }
0x43: {  	s2 =	simm.s32 @!p2 $0x61940;
	s3 =	sand.u32 s3, s23  }
0x44: {  	s17 =	smulhi.u32 $0xAAAAAAAB, s21;
	s2 =	ssub.s32 s2, s3  }
0x45: {  	s0 =	sand.u32 $0x1, s0;
	s2 =	sadd.s32 $0xFFF9E6C0, s2  }
0x46: {  	s5 =	simm.s32 $0xA;
	s3 =	sshrl.u32 s17, $0x1;
	s4 =	sshll.u32 s2, $0x2  }
0x47: {  	s7 =	sshrl.u32 s23, $0x3;
	s3 =	smul.u32 $0xFFFFF100, s3;
	s4 =	ssub.s32 $0x500, s4  }
0x48: {  	s18 =	smul.u32 $0x500, s0;
	p2 =	sgt.s32 s2, $0x13F;
	s2 =	sshrl.u32 s4, $0x2  }
0x49: {  	s9 =	sand.u32 $0x7, s23;
	s3 =	sshra.s32 s3, $0x2;
	s2 =	simm.s32 @p2 $0x0  }
0x4a: {  	s0 =	sadd.s32 s3, s20;
	s4 =	sshrl.u32 s18, $0x2;
	_ =	swait.ge [sflag:s5], s2  }
0x4b: {  	s22 =	ssub.s32 $0x0, s2;
	[sflag:s5] =	ssyncset.done $0x0;
	s8 =	rddreg [dreg:$0x9]  }
0x4c: {  	s4 =	sadd.s32 $0xAD08, s4;
	[sflag:s5] =	ssyncadd.s32 s22;
	s3 =	sadd.s32 s7, s8  }
0x4d: {  	[tilespmem:s4], [sflag:$0xB] =	stream.linear.gather [hbm4b:s3+s9], s2, $0x38;
	[tilespmem:$0x1EF88] =	vst v63  }
0x4e: {  	v1 =	vld.msk [tilespmem:s0+$0x0], $0xffff;
	_ =	sdelay $0x4  }
0x4f: {  	v1 =	vshll.u32 v1, $0x4  }
0x50: {  	(v2sf) =	vpush v1, $0x0  }
0x51: {  	(v2sf) =	vpush v1, $0x1  }
0x52: {  	(v2sf) =	vpush v1, $0x2;
	_ =	sdelay $0x3  }
0x53: {  	(v2sf) =	vpush v1, $0x3;
	_ =	sdelay $0x1  }
0x54: {  	(v2sf) =	vpush v1, $0x4  }
0x55: {  	s2 =	simm.s32 $0x1;
	(v2sf) =	vpush v1, $0x5  }
0x56: {  	s2 =	simm.s32 @!p0 $0x0  }
0x57: {  	s2 =	smul.u32 $0x28000, s2;
	(v2sf) =	vpush v1, $0x6;
	_ =	sdelay $0x1  }
0x58: {  	s2 =	sshrl.u32 s2, $0x2  }
0x59: {  	s28 =	sadd.s32 $0xB708, s2  }
0x5a: {  	s12 =	sadd.s32 $0xFFFFF880, s28;
	s17 =	sadd.s32 $0xFFFFF900, s28;
	s10 =	spop (v2sf);
	(v2sf) =	vpush v1, $0x7  }
0x5b: {  	s18 =	sadd.s32 $0xFFFFF980, s28;
	s11 =	sand.u32 $0x1FFFFFF0, s10;
	s14 =	spop (v2sf)  }
0x5c: {  	(v2sf) =	vpush v1, $0x8;
	s2 =	sadd.s32 s6, s11;
	s15 =	sand.u32 $0x1FFFFFF0, s14;
	s16 =	spop (v2sf)  }
0x5d: {  	[tilespmem:s12], [sflag:$0x9] =	stream.linear.gather [hbm4b:s2+s19], $0x40, $0x38;
	[tilespmem:$0x1EF88] =	vst v63  }
0x5e: {  	s5 =	sadd.s32 $0xFFFFFA00, s28;
	s2 =	sadd.s32 s6, s15;
	s3 =	sand.u32 $0x1FFFFFF0, s16  }
0x5f: {  	(v2sf) =	vpush v1, $0x9;
	[tilespmem:s17], [sflag:$0x9] =	stream.linear.gather [hbm4b:s2+s19], $0x40, $0x38;
	[tilespmem:$0x1EF88] =	vst v63  }
0x60: {  	s7 =	sadd.s32 $0xFFFFFA80, s28;
	s22 =	spop (v2sf);
	s3 =	sadd.s32 s6, s3  }
0x61: {  	(v2sf) =	vpush v1, $0xA;
	[tilespmem:s18], [sflag:$0x9] =	stream.linear.gather [hbm4b:s3+s19], $0x40, $0x38;
	[tilespmem:$0x1EF88] =	vst v63  }
0x62: {  	s11 =	sadd.s32 $0xFFFFFB00, s28;
	s4 =	spop (v2sf);
	(v2sf) =	vpush v1, $0xB;
	s3 =	sand.u32 $0x1FFFFFF0, s22  }
0x63: {  	s8 =	spop (v2sf);
	s2 =	sadd.s32 s6, s3;
	s3 =	sand.u32 $0x1FFFFFF0, s4  }
0x64: {  	(v2sf) =	vpush v1, $0xC;
	[tilespmem:s5], [sflag:$0x9] =	stream.linear.gather [hbm4b:s2+s19], $0x40, $0x38;
	[tilespmem:$0x1EF88] =	vst v63  }
0x65: {  	s9 =	sand.u32 $0x1FFFFFF0, s8;
	s10 =	spop (v2sf);
	s3 =	sadd.s32 s6, s3  }
0x66: {  	(v2sf) =	vpush v1, $0xD;
	[tilespmem:s7], [sflag:$0x9] =	stream.linear.gather [hbm4b:s3+s19], $0x40, $0x38;
	[tilespmem:$0x1EF88] =	vst v63  }
0x67: {  	s12 =	sadd.s32 $0xFFFFFB80, s28;
	s2 =	sadd.s32 s6, s9;
	s3 =	sand.u32 $0x1FFFFFF0, s10  }
0x68: {  	[tilespmem:s11], [sflag:$0x9] =	stream.linear.gather [hbm4b:s2+s19], $0x40, $0x38;
	[tilespmem:$0x1EF88] =	vst v63  }
0x69: {  	s17 =	sadd.s32 $0xFFFFFC00, s28;
	s3 =	sadd.s32 s6, s3;
	s14 =	spop (v2sf)  }
0x6a: {  	[tilespmem:s12], [sflag:$0x9] =	stream.linear.gather [hbm4b:s3+s19], $0x40, $0x38;
	(v2sf) =	vpush v1, $0xE;
	[tilespmem:$0x1EF88] =	vst v63  }
0x6b: {  	s18 =	sadd.s32 $0xFFFFFC80, s28;
	s15 =	sand.u32 $0x1FFFFFF0, s14;
	s16 =	spop (v2sf)  }
0x6c: {  	s5 =	sadd.s32 $0xFFFFFD00, s28;
	(v2sf) =	vpush v1, $0xF;
	s2 =	sadd.s32 s6, s15;
	s3 =	sand.u32 $0x1FFFFFF0, s16  }
0x6d: {  	[tilespmem:s17], [sflag:$0x9] =	stream.linear.gather [hbm4b:s2+s19], $0x40, $0x38;
	[tilespmem:$0x1EF88] =	vst v63  }
0x6e: {  	s7 =	sadd.s32 $0xFFFFFD80, s28;
	s22 =	spop (v2sf);
	s3 =	sadd.s32 s6, s3  }
0x6f: {  	[tilespmem:s18], [sflag:$0x9] =	stream.linear.gather [hbm4b:s3+s19], $0x40, $0x38;
	[tilespmem:$0x1EF88] =	vst v63  }
0x70: {  	s11 =	sadd.s32 $0xFFFFFE00, s28;
	s4 =	spop (v2sf);
	s3 =	sand.u32 $0x1FFFFFF0, s22  }
0x71: {  	s8 =	spop (v2sf);
	s2 =	sadd.s32 s6, s3;
	s3 =	sand.u32 $0x1FFFFFF0, s4  }
0x72: {  	[tilespmem:s5], [sflag:$0x9] =	stream.linear.gather [hbm4b:s2+s19], $0x40, $0x38;
	[tilespmem:$0x1EF88] =	vst v63  }
0x73: {  	s9 =	sand.u32 $0x1FFFFFF0, s8;
	s10 =	spop (v2sf);
	s3 =	sadd.s32 s6, s3  }
0x74: {  	[tilespmem:s7], [sflag:$0x9] =	stream.linear.gather [hbm4b:s3+s19], $0x40, $0x38;
	[tilespmem:$0x1EF88] =	vst v63  }
0x75: {  	s14 =	spop (v2sf);
	s2 =	sadd.s32 s6, s9;
	s3 =	sand.u32 $0x1FFFFFF0, s10  }
0x76: {  	[tilespmem:s11], [sflag:$0x9] =	stream.linear.gather [hbm4b:s2+s19], $0x40, $0x38;
	[tilespmem:$0x1EF88] =	vst v63  }
0x77: {  	s12 =	sadd.s32 $0xFFFFFE80, s28;
	s15 =	sand.u32 $0x1FFFFFF0, s14;
	s3 =	sadd.s32 s6, s3  }
0x78: {  	[tilespmem:s12], [sflag:$0x9] =	stream.linear.gather [hbm4b:s3+s19], $0x40, $0x38;
	[tilespmem:$0x1EF88] =	vst v63  }
0x79: {  	s17 =	sadd.s32 $0xFFFFFF00, s28;
	s2 =	sadd.s32 s6, s15;
	s16 =	spop (v2sf)  }
0x7a: {  	[tilespmem:s17], [sflag:$0x9] =	stream.linear.gather [hbm4b:s2+s19], $0x40, $0x38;
	[tilespmem:$0x1EF88] =	vst v63  }
0x7b: {  	s29 =	simm.s32 $0x0;
	s3 =	sand.u32 $0x1FFFFFF0, s16;
	s18 =	spop (v2sf)  }
0x7c: {  	s22 =	sadd.s32 $0xFFFFFF80, s28;
	s3 =	sadd.s32 s6, s3;
	s2 =	sand.u32 $0x1FFFFFF0, s18  }
0x7d: {  	[tilespmem:s22], [sflag:$0x9] =	stream.linear.gather [hbm4b:s3+s19], $0x40, $0x38;
	[tilespmem:$0x1EF88] =	vst v63  }
0x7e: {  	s31 =	sadd.s32 $0x10, s0;
	s30 =	sadd.s32 $0x800, s28;
	s2 =	sadd.s32 s6, s2  }
.LBB2_5:
0x7f: {  	[tilespmem:s28], [sflag:$0x9] =	stream.linear.gather [hbm4b:s2+s19], $0x40, $0x38;
	[tilespmem:$0x1EF88] =	vst v63  }
0x80: {  	s29 =	sadd.s32 $0x10, s29;
	s28 =	smov.u32 s30  }
0x81: {  	p2 =	slt.u32 s29, $0x130;
	v1 =	vld.msk [tilespmem:s31+$0x0], $0xffff;
	_ =	sdelay $0x4  }
0x82: {  	v1 =	vshll.u32 v1, $0x4  }
0x83: {  	(v2sf) =	vpush v1, $0x0  }
0x84: {  	(v2sf) =	vpush v1, $0x1  }
0x85: {  	(v2sf) =	vpush v1, $0x2;
	_ =	sdelay $0x1  }
0x86: {  	(v2sf) =	vpush v1, $0x3;
	_ =	sdelay $0x1  }
0x87: {  	(v2sf) =	vpush v1, $0x4;
	_ =	sdelay $0x1  }
0x88: {  	(v2sf) =	vpush v1, $0x5;
	_ =	sdelay $0x1  }
0x89: {  	(v2sf) =	vpush v1, $0x6  }
0x8a: {  	s4 =	sadd.s32 $0xFFFFFE80, s30;
	s0 =	sadd.s32 $0xFFFFFF00, s30  }
0x8b: {  	s3 =	sadd.s32 $0xFFFFFD00, s30;
	s2 =	sadd.s32 $0xFFFFFD80, s30;
	s5 =	sadd.s32 $0xFFFFFE00, s30;
	(v2sf) =	vpush v1, $0x7  }
0x8c: {  	s10 =	sadd.s32 $0xFFFFFB80, s30;
	s9 =	sadd.s32 $0xFFFFFC00, s30;
	s16 =	sadd.s32 $0xFFFFFC80, s30  }
0x8d: {  	s11 =	sadd.s32 $0xFFFFFA00, s30;
	s12 =	sadd.s32 $0xFFFFFA80, s30;
	s15 =	sadd.s32 $0xFFFFFB00, s30;
	(v2sf) =	vpush v1, $0x8  }
0x8e: {  	s18 =	sadd.s32 $0xFFFFF900, s30;
	s7 =	sadd.s32 $0xFFFFF980, s30;
	s22 =	spop (v2sf)  }
0x8f: {  	s8 =	sadd.s32 $0xFFFFF880, s30;
	s22 =	sand.u32 $0x1FFFFFF0, s22;
	s14 =	spop (v2sf);
	(v2sf) =	vpush v1, $0x9  }
0x90: {  	s22 =	sadd.s32 s6, s22;
	s14 =	sand.u32 $0x1FFFFFF0, s14;
	s17 =	spop (v2sf)  }
0x91: {  	[tilespmem:s8], [sflag:$0x9] =	stream.linear.gather [hbm4b:s22+s19], $0x40, $0x38;
	(v2sf) =	vpush v1, $0xA;
	[tilespmem:$0x1EF88] =	vst v63  }
0x92: {  	s8 =	sadd.s32 s6, s14;
	s14 =	sand.u32 $0x1FFFFFF0, s17;
	s17 =	spop (v2sf)  }
0x93: {  	[tilespmem:s18], [sflag:$0x9] =	stream.linear.gather [hbm4b:s8+s19], $0x40, $0x38;
	(v2sf) =	vpush v1, $0xB;
	[tilespmem:$0x1EF88] =	vst v63  }
0x94: {  	s8 =	sadd.s32 s6, s14;
	s14 =	sand.u32 $0x1FFFFFF0, s17;
	s17 =	spop (v2sf)  }
0x95: {  	[tilespmem:s7], [sflag:$0x9] =	stream.linear.gather [hbm4b:s8+s19], $0x40, $0x38;
	(v2sf) =	vpush v1, $0xC;
	[tilespmem:$0x1EF88] =	vst v63  }
0x96: {  	s7 =	sadd.s32 s6, s14;
	s8 =	sand.u32 $0x1FFFFFF0, s17;
	s14 =	spop (v2sf)  }
0x97: {  	[tilespmem:s11], [sflag:$0x9] =	stream.linear.gather [hbm4b:s7+s19], $0x40, $0x38;
	(v2sf) =	vpush v1, $0xD;
	[tilespmem:$0x1EF88] =	vst v63  }
0x98: {  	s7 =	sadd.s32 s6, s8;
	s8 =	sand.u32 $0x1FFFFFF0, s14;
	s11 =	spop (v2sf)  }
0x99: {  	[tilespmem:s12], [sflag:$0x9] =	stream.linear.gather [hbm4b:s7+s19], $0x40, $0x38;
	(v2sf) =	vpush v1, $0xE;
	[tilespmem:$0x1EF88] =	vst v63  }
0x9a: {  	s7 =	sadd.s32 s6, s8;
	s8 =	sand.u32 $0x1FFFFFF0, s11;
	s11 =	spop (v2sf)  }
0x9b: {  	[tilespmem:s15], [sflag:$0x9] =	stream.linear.gather [hbm4b:s7+s19], $0x40, $0x38;
	(v2sf) =	vpush v1, $0xF;
	[tilespmem:$0x1EF88] =	vst v63  }
0x9c: {  	s7 =	sadd.s32 s6, s8;
	s8 =	sand.u32 $0x1FFFFFF0, s11;
	s11 =	spop (v2sf)  }
0x9d: {  	[tilespmem:s10], [sflag:$0x9] =	stream.linear.gather [hbm4b:s7+s19], $0x40, $0x38;
	[tilespmem:$0x1EF88] =	vst v63  }
0x9e: {  	s7 =	sadd.s32 s6, s8;
	s8 =	sand.u32 $0x1FFFFFF0, s11;
	s10 =	spop (v2sf)  }
0x9f: {  	[tilespmem:s9], [sflag:$0x9] =	stream.linear.gather [hbm4b:s7+s19], $0x40, $0x38;
	[tilespmem:$0x1EF88] =	vst v63  }
0xa0: {  	s7 =	sadd.s32 s6, s8;
	s8 =	sand.u32 $0x1FFFFFF0, s10;
	s9 =	spop (v2sf)  }
0xa1: {  	[tilespmem:s16], [sflag:$0x9] =	stream.linear.gather [hbm4b:s7+s19], $0x40, $0x38;
	[tilespmem:$0x1EF88] =	vst v63  }
0xa2: {  	s7 =	sadd.s32 s6, s8;
	s8 =	sand.u32 $0x1FFFFFF0, s9;
	s9 =	spop (v2sf)  }
0xa3: {  	[tilespmem:s3], [sflag:$0x9] =	stream.linear.gather [hbm4b:s7+s19], $0x40, $0x38;
	[tilespmem:$0x1EF88] =	vst v63  }
0xa4: {  	s3 =	sadd.s32 s6, s8;
	s7 =	sand.u32 $0x1FFFFFF0, s9;
	s8 =	spop (v2sf)  }
0xa5: {  	[tilespmem:s2], [sflag:$0x9] =	stream.linear.gather [hbm4b:s3+s19], $0x40, $0x38;
	[tilespmem:$0x1EF88] =	vst v63  }
0xa6: {  	s2 =	sadd.s32 s6, s7;
	s3 =	sand.u32 $0x1FFFFFF0, s8;
	s7 =	spop (v2sf)  }
0xa7: {  	[tilespmem:s5], [sflag:$0x9] =	stream.linear.gather [hbm4b:s2+s19], $0x40, $0x38;
	[tilespmem:$0x1EF88] =	vst v63  }
0xa8: {  	s2 =	sadd.s32 s6, s3;
	s3 =	sand.u32 $0x1FFFFFF0, s7;
	s5 =	spop (v2sf)  }
0xa9: {  	[tilespmem:s4], [sflag:$0x9] =	stream.linear.gather [hbm4b:s2+s19], $0x40, $0x38;
	[tilespmem:$0x1EF88] =	vst v63  }
0xaa: {  	s2 =	sadd.s32 s6, s3  }
.Ltmp4:
0xab: {  	s3 =	sand.u32 $0x1FFFFFF0, s5;
	s4 =	spop (v2sf);
	(pc) =	sbr.rel @p2 .LBB2_5-.Ltmp4, $4  }
0xac: {  	[tilespmem:s0], [sflag:$0x9] =	stream.linear.gather [hbm4b:s2+s19], $0x40, $0x38;
	[tilespmem:$0x1EF88] =	vst v63  }
0xad: {  	s0 =	sadd.s32 s6, s3;
	s2 =	sadd.s32 $0xFFFFFF80, s30;
	s3 =	sand.u32 $0x1FFFFFF0, s4  }
0xae: {  	[tilespmem:s2], [sflag:$0x9] =	stream.linear.gather [hbm4b:s0+s19], $0x40, $0x38;
	[tilespmem:$0x1EF88] =	vst v63  }
0xaf: {  	s31 =	sadd.s32 $0x10, s31;
	s30 =	sadd.s32 $0x800, s30;
	s2 =	sadd.s32 s6, s3  }
0xb0: {  	[tilespmem:s28], [sflag:$0x9] =	stream.linear.gather [hbm4b:s2+s19], $0x40, $0x38;
	[tilespmem:$0x1EF88] =	vst v63  }
0xb1: {  	s12 =	rddreg [dreg:$0x5]  }
0xb2: {  	s14 =	rddreg [dreg:$0x6]  }
0xb3: {  	s15 =	rddreg [dreg:$0x7]  }
0xb4: {  	s17 =	rddreg [dreg:$0x8]  }
0xb5: {  	s18 =	rddreg [dreg:$0xa]  }
0xb6: {  	s22 =	rddreg [dreg:$0xb]  }
.LBB2_7:
0xb7: {  	p2 =	slt.u32 s25, $0x2  }
.Ltmp5:
0xb8: {  	_ = 	snop;
	(pc) =	sbr.rel @p2 .LBB2_25-.Ltmp5, $1  }
0xb9: {  	_ =	sdelay $0x3  }
0xba: {  	p2 =	sgt.s32 s26, $0x61940;
	s0 =	smov.u32 s26;
	s2 =	sshra.s32 s26, $0x1F  }
0xbb: {  	s0 =	simm.s32 @!p2 $0x61940;
	s2 =	sand.u32 s2, s26  }
0xbc: {  	s0 =	ssub.s32 s0, s2  }
0xbd: {  	s0 =	sadd.s32 $0xFFF9E6C0, s0  }
0xbe: {  	s3 =	simm.s32 $0x9;
	s29 =	sshll.u32 s0, $0x2  }
0xbf: {  	_ =	swait.ge [sflag:s3], $0x5000;
	s2 =	ssub.s32 $0x500, s29  }
0xc0: {  	[sflag:s3] =	ssyncset.done $0x0;
	p2 =	sgt.s32 s0, $0x13F;
	s0 =	sshrl.u32 s2, $0x2  }
0xc1: {  	s30 =	simm.s32 $0xB;
	[sflag:s3] =	ssyncadd.s32 $0xFFFFB000;
	s0 =	simm.s32 @p2 $0x0  }
0xc2: {  	_ =	swait.ge [sflag:s30], s0  }
0xc3: {  	s0 =	ssub.s32 $0x0, s0;
	[sflag:s30] =	ssyncset.done $0x0  }
0xc4: {  	[sflag:s30] =	ssyncadd.s32 s0  }
0xc5: {  	v1 =	vld [tilespmem:$0xA108];
	_ =	sdelay $0x4  }
0xc6: {  	(v2sf) =	vpush v1, $0x0  }
0xc7: {  	(v2sf) =	vpush v1, $0x1  }
0xc8: {  	(v2sf) =	vpush v1, $0x2;
	_ =	sdelay $0x3  }
0xc9: {  	s0 =	sadd.s32 $0x140, s26  }
0xca: {  	s4 =	ssub.s32 $0xC3500, s26;
	p2 =	slt.s32 s14, s0  }
0xcb: {  	s0 =	smov.u32 @p2 s14;
	p2 =	sgt.s32 s4, $0x0  }
0xcc: {  	s0 =	ssub.s32 s0, s26;
	s4 =	simm.s32 @!p2 $0x0  }
0xcd: {  	p2 =	slt.s32 s4, s0  }
0xce: {  	s0 =	smov.u32 @p2 s4  }
0xcf: {  	s2 =	simm.s32 $0x1;
	p2 =	slt.s32 s0, $0x1  }
.Ltmp6:
0xd0: {  	s2 =	simm.s32 @!p1 $0x0;
	(pc) =	sbr.rel @p2 .LBB2_12-.Ltmp6, $4  }
0xd1: {  	s7 =	smul.u32 $0x500, s2  }
0xd2: {  	s3 =	spop (v2sf)  }
0xd3: {  	s31 =	sshrl.u32 s7, $0x2;
	s5 =	spop (v2sf)  }
0xd4: {  	s28 =	sadd.s32 $0xAD08, s31;
	s26 =	spop (v2sf)  }
0xd5: {  	s4 =	smin.u32 s0, $0x10  }
0xd6: {  	v1 =	vmov s4  }
0xd7: {  	p3 =	sgt.s32 s0, $0x10;
	vm1 =	vgt.u32 v1, v0  }
.Ltmp7:
0xd8: {  	_ = 	snop;
	(pc) =	sbr.rel @!p3 .LBB2_11-.Ltmp7, $2  }
0xd9: {  	_ =	sdelay $0x2  }
0xda: {  	s9 =	simm.s32 $0x10;
	s10 =	sadd.s32 $0xFFFFFFF0, s0;
	s4 =	smov.u32 s28;
	vm0 =	vmmov vm1  }
.LBB2_10:
0xdb: {  	s7 =	smin.u32 s10, $0x10;
	s9 =	sadd.s32 $0x10, s9;
	v1 =	vld.msk [tilespmem:s4+$0x0 ss:$0x1], vm1  }
0xdc: {  	v2 =	vmov s7;
	p3 =	slt.s32 s9, s0  }
0xdd: {  	vm1 =	vgt.u32 v2, v0  }
.Ltmp8:
0xde: {  	(pc) =	sbr.rel @p3 .LBB2_10-.Ltmp8, $3  }
0xdf: {  	_ =	sdelay $0x1  }
0xe0: {  	v1 =	vshll.u32 v1, $0x4  }
0xe1: {  	s10 =	sadd.s32 $0xFFFFFFF0, s10;
	[tilespmem:s4+$0x0] =	vst.msk vm0, v1;
	s4 =	sadd.s32 $0x10, s4;
	vm0 =	vmmov vm1  }
.LBB2_11:
0xe2: {  	_ =	sdelay $0x4  }
0xe3: {  	v1 =	vld.msk [tilespmem:s4+$0x0 ss:$0x1], vm1;
	_ =	sdelay $0x4  }
0xe4: {  	v1 =	vshll.u32 v1, $0x4  }
0xe5: {  	[tilespmem:s4+$0x0] =	vst.msk vm0, v1  }
.LBB2_12:
0xe6: {  	s4 =	sand.u32 $0x1, s25  }
0xe7: {  	s4 =	smul.u32 $0x140, s4  }
0xe8: {  	p3 =	sne.s32 s5, $0xFFFFFFFF  }
0xe9: {  	v1 =	vld.msk @!p3 [tilespmem:s4+$0xAD08], $0x1;
	_ =	sdelay $0x4  }
0xea: {  	(v2sf) =	vpush @!p3 v1, $0x0;
	_ =	sdelay $0xc  }
.Ltmp9:
0xeb: {  	_ = 	snop;
	(pc) =	sbr.rel @p2 .LBB2_23-.Ltmp9, $4  }
0xec: {  	_ = 	snop  }
0xed: {  	s29 =	spop @!p3 (v2sf)  }
0xee: {  	s31 =	simm.s32 $0xC;
	s26 =	simm.s32 @!p3 $0x0;
	s4 =	smov.u32 s29  }
0xef: {  	[sflag:s31] =	ssyncpa.u1 $0x0;
	s29 =	smov.u32 @p3 s3;
	s4 =	smov.u32 @p3 s5  }
0xf0: {  	v1 =	vld.msk [tilespmem:s28+$0x0], $0x1;
	_ =	sdelay $0x4  }
0xf1: {  	(v2sf) =	vpush v1, $0x0;
	_ =	sdelay $0xe  }
0xf2: {  	s2 =	smul.u32 $0x28000, s2;
	s5 =	spop (v2sf)  }
0xf3: {  	s31 =	ssub.s32 $0x0, s0;
	p2 =	seq.s32 s29, s5  }
0xf4: {  	s3 =	smov.u32 s29;
	s2 =	sshrl.u32 s2, $0x2;
	p3 =	sgt.s32 @!p2 s29, $0x0  }
0xf5: {  	s30 =	sadd.s32 $0xAFA8, s2;
	s2 =	sadd.s32 $0x1, s31;
	p3 =	por !p3, p2  }
0xf6: {  	s3 =	simm.s32 @p3 $0x0;
	p3 =	seq.s32 s2, $0x0  }
.Ltmp10:
0xf7: {  	_ = 	snop;
	(pc) =	sbr.rel @p3 .LBB2_15-.Ltmp10, $4  }
0xf8: {  	_ = 	snop  }
0xf9: {  	s0 =	simm.s32 $0x0;
	s9 =	simm.s32 @!p2 $0x1;
	s3 =	smin.u32 @!p2 s3, $0xC34F8  }
0xfa: {  	s10 =	simm.s32 @!p2 $0x50C8;
	s9 =	smov.u32 @p2 s0;
	s7 =	sand.u32 @!p2 $0xFFFF8, s3  }
0xfb: {  	s16 =	sand.u32 @!p2 $0x7, s3;
	s3 =	sadd.s32 $0x1, s28;
	s11 =	sadd.s32 @!p2 s1, s7  }
.LBB2_14:
0xfc: {  	s7 =	smov.u32 s9  }
0xfd: {  	[tilespmem:s10], [sflag:$0x2] =	stream.linear.gather @!p2 [hbm4b:s11+s16], $0x40, $0x38;
	[tilespmem:$0x1EF88] =	vst v63  }
0xfe: {  	s2 =	sadd.s32 $0x1, s2;
	s8 =	smov.u32 s5;
	v1 =	vld.msk [tilespmem:s3+$0x0], $0x1  }
0xff: {  	p3 =	seq.s32 s2, $0x0;
	_ =	sdelay $0x3  }
0x100: {  	(v2sf) =	vpush v1, $0x0;
	_ =	sdelay $0xe  }
0x101: {  	s5 =	spop (v2sf)  }
0x102: {  	p2 =	seq.s32 s8, s5  }
0x103: {  	p4 =	sgt.s32 @!p2 s8, $0x0;
	s10 =	sshll.u32 @!p2 s9, $0x8;
	s9 =	sadd.s32 @!p2 $0x1, s9  }
.Ltmp11:
0x104: {  	p4 =	por !p4, p2;
	s10 =	sshra.s32 @!p2 s10, $0x2;
	(pc) =	sbr.rel @!p3 .LBB2_14-.Ltmp11, $4  }
0x105: {  	s9 =	smov.u32 @p2 s7;
	s8 =	simm.s32 @p4 $0x0;
	s10 =	sadd.s32 @!p2 $0x50C8, s10  }
0x106: {  	s7 =	smin.u32 @!p2 s8, $0xC34F8  }
0x107: {  	s8 =	sand.u32 @!p2 $0xFFFF8, s7;
	s16 =	sand.u32 @!p2 $0x7, s7  }
0x108: {  	s3 =	sadd.s32 $0x1, s3;
	s11 =	sadd.s32 @!p2 s1, s8  }
.LBB2_15:
0x109: {  	[tilespmem:s10], [sflag:$0x2] =	stream.linear.gather @!p2 [hbm4b:s11+s16], $0x40, $0x38;
	[tilespmem:$0x1EF88] =	vst v63  }
.Ltmp12:
0x10a: {  	s2 =	sshll.u32 s9, $0x6;
	(pc) =	sbr.rel .LBB2_16-.Ltmp12, $4  }
0x10b: {  	s3 =	simm.s32 $0x2;
	s2 =	sand.u32 $0x3FFFFFC0, s2  }
0x10c: {  	_ =	swait.ge [sflag:s3], s2  }
0x10d: {  	s2 =	ssub.s32 $0x0, s2;
	[sflag:s3] =	ssyncset.done $0x0  }
0x10e: {  	[sflag:s3] =	ssyncadd.s32 s2;
	s3 =	simm.s32 $0x0  }
.LBB2_17:
0x10f: {  	v1 =	vld [tilespmem:s30+$0xFFFFFFE0];
	_ =	sdelay $0x4  }
0x110: {  	[tilespmem:s5+$0x88] =	vst.add.f32.msk $0xffff, v1  }
0x111: {  	v1 =	vld [tilespmem:s30+$0xFFFFFFF0];
	_ =	sdelay $0x4  }
0x112: {  	[tilespmem:s5+$0x98] =	vst.add.f32.msk $0xffff, v1  }
0x113: {  	v1 =	vld [tilespmem:s30+$0x0];
	_ =	sdelay $0x4  }
0x114: {  	[tilespmem:s5+$0xA8] =	vst.add.f32.msk $0xffff, v1  }
0x115: {  	v1 =	vld [tilespmem:s30+$0x10];
	_ =	sdelay $0x4  }
0x116: {  	[tilespmem:s5+$0xB8] =	vst.add.f32.msk $0xffff, v1  }
.LBB2_21:
0x117: {  	s31 =	sadd.s32 $0x1, s31  }
0x118: {  	p2 =	seq.s32 s31, $0x0  }
.Ltmp13:
0x119: {  	_ = 	snop;
	(pc) =	sbr.rel @p2 .LBB2_22-.Ltmp13, $2  }
0x11a: {  	_ =	sdelay $0x2  }
0x11b: {  	s30 =	sadd.s32 $0x80, s30;
	s28 =	sadd.s32 $0x1, s28;
	s29 =	smov.u32 s2  }
.LBB2_16:
0x11c: {  	v1 =	vld.msk [tilespmem:s28+$0x0], $0x1;
	_ =	sdelay $0x4  }
0x11d: {  	(v2sf) =	vpush v1, $0x0;
	_ =	sdelay $0xe  }
0x11e: {  	s2 =	spop (v2sf)  }
0x11f: {  	p2 =	sne.s32 s29, s2  }
.Ltmp14:
0x120: {  	_ = 	snop;
	(pc) =	sbr.rel @!p2 .LBB2_17-.Ltmp14, $3  }
0x121: {  	_ =	sdelay $0x1  }
0x122: {  	s5 =	sshll.u32 s26, $0x8  }
0x123: {  	s5 =	sshra.s32 s5, $0x2  }
0x124: {  	p2 =	seq.s32 s29, s4  }
.Ltmp15:
0x125: {  	_ = 	snop;
	(pc) =	sbr.rel @!p2 .LBB2_19-.Ltmp15, $1  }
0x126: {  	_ =	sdelay $0x3  }
.Ltmp16:
0x127: {  	s5 =	sadd.s32 $0x88, s5;
	(pc) =	sbr.rel .LBB2_20-.Ltmp16, $4  }
0x128: {  	[spmem:s18] =	stream.linear.scatter [tilespmem:s5], [sflag:$0x1], $0x40, $0x38;
	[tilespmem:$0x1EF88] =	vst v63  }
0x129: {  	_ =	swait.ge [sflag:s13], $0x40  }
0x12a: {  	[sflag:s13] =	ssyncset.done $0x0  }
0x12b: {  	[sflag:s13] =	ssyncadd.s32 $0xFFFFFFC0  }
.LBB2_19:
0x12c: {  	s7 =	sshll.u32 s0, $0x8  }
0x12d: {  	s7 =	sshra.s32 s7, $0x2  }
0x12e: {  	v1 =	vld [tilespmem:s7+$0x50C8];
	_ =	sdelay $0x4  }
0x12f: {  	[tilespmem:s5+$0x88] =	vst.add.f32.msk $0xffff, v1  }
0x130: {  	v1 =	vld [tilespmem:s7+$0x50D8];
	_ =	sdelay $0x4  }
0x131: {  	[tilespmem:s5+$0x98] =	vst.add.f32.msk $0xffff, v1  }
0x132: {  	v1 =	vld [tilespmem:s7+$0x50E8];
	_ =	sdelay $0x4  }
0x133: {  	[tilespmem:s5+$0xA8] =	vst.add.f32.msk $0xffff, v1  }
0x134: {  	v1 =	vld [tilespmem:s7+$0x50F8];
	_ =	sdelay $0x2  }
0x135: {  	p2 =	sgt.u32 s29, $0xC34F8  }
0x136: {  	s7 =	sand.u32 @!p2 $0xFFFF8, s29  }
0x137: {  	s8 =	sadd.s32 $0x88, s5;
	[tilespmem:s5+$0xB8] =	vst.add.f32.msk $0xffff, v1;
	s5 =	sadd.s32 @!p2 s1, s7;
	s7 =	sand.u32 @!p2 $0x7, s29  }
0x138: {  	[hbm4b:s5+s7] =	stream.linear.scatter @!p2 [tilespmem:s8], [sflag:$0xC], $0x40, $0x38;
	[tilespmem:$0x1EF88] =	vst v63  }
0x139: {  	s5 =	simm.s32 $0x0  }
0x13a: {  	s5 =	simm.s32 @!p2 $0x100  }
0x13b: {  	s3 =	sadd.s32 s5, s3  }
.LBB2_20:
0x13c: {  	s5 =	sadd.s32 $0x1, s26  }
0x13d: {  	s7 =	smulhi.u32 $0xCCCCCCCD, s5;
	_ =	sdelay $0x1  }
0x13e: {  	v1 =	vld [tilespmem:s30+$0xFFFFFFE0];
	s7 =	sshrl.u32 s7, $0x8  }
0x13f: {  	s7 =	smul.u32 $0x140, s7;
	_ =	sdelay $0x1  }
0x140: {  	s26 =	ssub.s32 s5, s7  }
0x141: {  	s5 =	sshll.u32 s26, $0x6  }
0x142: {  	[tilespmem:s5+$0x88] =	vst v1  }
0x143: {  	v1 =	vld [tilespmem:s30+$0xFFFFFFF0];
	_ =	sdelay $0x4  }
0x144: {  	[tilespmem:s5+$0x98] =	vst v1  }
0x145: {  	v1 =	vld [tilespmem:s30+$0x0];
	_ =	sdelay $0x4  }
0x146: {  	[tilespmem:s5+$0xA8] =	vst v1  }
0x147: {  	v1 =	vld [tilespmem:s30+$0x10]  }
.Ltmp17:
0x148: {  	_ = 	snop;
	(pc) =	sbr.rel .LBB2_21-.Ltmp17, $2  }
0x149: {  	_ =	sdelay $0x2  }
0x14a: {  	s0 =	sadd.s32 $0x1, s0;
	[tilespmem:s5+$0xB8] =	vst v1  }
.LBB2_23:
.Ltmp18:
0x14b: {  	(pc) =	sbr.rel .LBB2_24-.Ltmp18, $4  }
0x14c: {  	_ = 	snop  }
0x14d: {  	s0 =	simm.s32 $0x2  }
0x14e: {  	_ =	swait.ge [sflag:s0], $0x0  }
0x14f: {  	s2 =	smov.u32 s29;
	[sflag:s0] =	ssyncset.done $0x0;
	s0 =	simm.s32 $0x0  }
.LBB2_26:
0x150: {  	_ =	sfence.sel $0x180000  }
0x151: {  	s0 =	simm.s32 $0x9;
	[bflag:$0x0] =	sbarrier.arrive $0xFFFF  }
0x152: {  	s24 =	simm.s32 $0xA;
	[sflag:s0] =	ssyncpa.u1 $0x1  }
0x153: {  	s25 =	simm.s32 $0xB;
	[sflag:s24] =	ssyncpa.u1 $0x1  }
0x154: {  	s26 =	simm.s32 $0x2;
	[sflag:s25] =	ssyncpa.u1 $0x1  }
0x155: {  	[sflag:s26] =	ssyncpa.u1 $0x1  }
0x156: {  	v0 =	vld [tilespmem:$0xA108];
	_ =	sdelay $0x4  }
0x157: {  	(v2sf) =	vpush v0, $0x0  }
0x158: {  	(v2sf) =	vpush v0, $0x1;
	_ =	sdelay $0x1  }
0x159: {  	(v2sf) =	vpush v0, $0x2;
	_ =	sdelay $0xb  }
0x15a: {  	s0 =	spop (v2sf)  }
0x15b: {  	s2 =	spop (v2sf)  }
0x15c: {  	s3 =	smov.u32 s0;
	p0 =	sne.s32 s0, s2  }
0x15d: {  	s4 =	spop (v2sf);
	s3 =	simm.s32 @!p0 $0xFFFFFFFF  }
0x15e: {  	v2 =	vimm.s32 $0x1;
	v3 =	vlaneseq.u32;
	p0 =	seq.s32 s4, $0xFFFFFFFF;
	v1 =	vmov s3  }
0x15f: {  	s14 =	stileid.u32;
	v0 =	vperm.xlane v0, v2;
	p1 =	sne.s32 @!p0 s0, s2;
	v1 =	vperm.xlane v1, v3  }
0x160: {  	vm0 =	vcmask $0x3F04;
	s6 =	simm.s32 $0xA108;
	s0 =	simm.s32 @!p0 $0x1;
	p1 =	por !p1, p0  }
0x161: {  	s3 =	sshll.u32 s14, $0x1;
	s2 =	sshll.u32 @!p0 s4, $0x8;
	s0 =	simm.s32 @p1 $0x0;
	v0 =	vsel vm0, v1, v0  }
0x162: {  	s5 =	sor.u32 $0x800, s3;
	s2 =	sshra.s32 @!p0 s2, $0x2;
	s0 =	sor.u32 @!p0 s0, s3;
	[tilespmem:$0xA108] =	vst v0  }
0x163: {  	[spmem:s5] =	stream.linear.scatter [tilespmem:s6], [sflag:$0x1], $0x2, $0x38;
	[tilespmem:$0x1EF88] =	vst v63  }
0x164: {  	s2 =	sadd.s32 @!p0 $0x88, s2;
	s0 =	sshll.u32 @!p0 s0, $0x6  }
0x165: {  	[spmem:s0] =	stream.linear.scatter @!p0 [tilespmem:s2], [sflag:$0x1], $0x40, $0x38;
	[tilespmem:$0x1EF88] =	vst v63  }
0x166: {  	s0 =	simm.s32 @!p0 $0x42  }
0x167: {  	s28 =	simm.s32 $0x1;
	s0 =	simm.s32 @p0 $0x2  }
0x168: {  	_ =	swait.ge [sflag:s28], s0  }
0x169: {  	s0 =	ssub.s32 $0x0, s0;
	[sflag:s28] =	ssyncset.done $0x0  }
0x16a: {  	p0 =	sne.s32 s14, $0x0;
	[sflag:s28] =	ssyncadd.s32 s0  }
.Ltmp19:
0x16b: {  	_ =	sfence.stream.spmem;
	(pc) =	sbr.rel @p0 .LBB2_43-.Ltmp19, $4  }
0x16c: {  	s29 =	simm.s32 $0x3;
	[bflag:$0x0] =	sbarrier.arrive $0xFFFF  }
0x16d: {  	s30 =	simm.s32 $0x4;
	[sflag:s29] =	ssyncpa.u1 $0x1  }
0x16e: {  	s31 =	simm.s32 $0x3C;
	[sflag:s30] =	ssyncpa.u1 $0x1  }
0x16f: {  	s13 =	rddreg [dreg:$0x4];
	[sflag:s31] =	ssyncpa.u1 $0x1  }
0x170: {  	_ =	sfence.stream.spmem;
	s0 =	simm.s32 $0x5  }
0x171: {  	s2 =	simm.s32 $0x800;
	s3 =	simm.s32 $0xA118;
	[sflag:s0] =	ssyncpa.u1 $0x0  }
0x172: {  	[tilespmem:s3], [sflag:$0x5] =	stream.linear.gather [spmem:s2], $0x20, $0x38;
	[tilespmem:$0x1EF88] =	vst v63  }
0x173: {  	s26 =	simm.s32 $0x0;
	s28 =	simm.s32 $0xA138  }
0x174: {  	[tilespmem:s28], [sflag:$0x5] =	stream.linear.gather [spmem:s26], $0x800, $0x38;
	[tilespmem:$0x1EF88] =	vst v63  }
0x175: {  	_ =	swait.ge [sflag:s0], $0x820  }
0x176: {  	[sflag:s0] =	ssyncset.done $0x0  }
0x177: {  	s29 =	simm.s32 $0x0;
	[sflag:s0] =	ssyncadd.s32 $0xFFFFF7E0  }
0x178: {  	v0 =	vld.msk [tilespmem:s29+$0xA118], $0x1;
	_ =	sdelay $0x1  }
0x179: {  	s30 =	simm.s32 $0x1  }
0x17a: {  	v1 =	vld.msk [tilespmem:s30+$0xA118], $0x1;
	_ =	sdelay $0x1  }
0x17b: {  	(v2sf) =	vpush v0, $0x0;
	_ =	sdelay $0x2  }
0x17c: {  	(v2sf) =	vpush v1, $0x0;
	_ =	sdelay $0x2  }
0x17d: {  	s31 =	simm.s32 $0x2  }
0x17e: {  	v0 =	vld.msk [tilespmem:s31+$0xA118], $0x1;
	_ =	sdelay $0x2  }
0x17f: {  	s2 =	simm.s32 $0xFFFFFFFF;
	s3 =	simm.s32 $0xFFFFFFFF;
	s0 =	simm.s32 $0xC  }
.LBB2_28:
0x180: {  	s4 =	smov.u32 s3;
	s5 =	smov.u32 s2  }
0x181: {  	s2 =	sshra.s32 s0, $0x2;
	p1 =	sne.s32 s0, $0x7C;
	s0 =	sadd.s32 $0x4, s0;
	(v2sf) =	vpush v0, $0x0  }
0x182: {  	v0 =	vld.msk [tilespmem:s2+$0xA118], $0x1  }
.Ltmp20:
0x183: {  	(pc) =	sbr.rel @p1 .LBB2_28-.Ltmp20, $4  }
0x184: {  	s3 =	spop (v2sf)  }
0x185: {  	p2 =	sne.s32 s5, $0xFFFFFFFF;
	s2 =	smov.u32 s3  }
0x186: {  	p3 =	seq.s32 s3, $0xFFFFFFFF;
	s2 =	smov.u32 @p2 s5  }
0x187: {  	s3 =	smov.u32 @p3 s4;
	s2 =	smov.u32 @p3 s5  }
0x188: {  	(v2sf) =	vpush v0, $0x0;
	_ =	sdelay $0x8  }
0x189: {  	s0 =	spop (v2sf)  }
0x18a: {  	p1 =	sne.s32 s2, $0xFFFFFFFF;
	s4 =	smov.u32 s0  }
0x18b: {  	s6 =	simm.s32 $0x0;
	p2 =	seq.s32 s0, $0xFFFFFFFF;
	s4 =	smov.u32 @p1 s2  }
0x18c: {  	s9 =	simm.s32 $0xA0C8;
	s4 =	smov.u32 @p2 s2;
	s2 =	spop (v2sf)  }
0x18d: {  	s0 =	smov.u32 @p2 s3;
	p1 =	sne.s32 s4, $0xFFFFFFFF;
	s5 =	smov.u32 s2  }
.Ltmp21:
0x18e: {  	p2 =	seq.s32 s2, $0xFFFFFFFF;
	s5 =	smov.u32 @p1 s4;
	(pc) =	sbr.rel .LBB2_30-.Ltmp21, $4  }
0x18f: {  	s10 =	simm.s32 $0x0;
	s5 =	smov.u32 @p2 s4;
	s7 =	spop (v2sf)  }
0x190: {  	s2 =	smov.u32 @p2 s0;
	p1 =	sne.s32 s5, $0xFFFFFFFF;
	s8 =	smov.u32 s7  }
0x191: {  	s0 =	simm.s32 $0x6;
	p2 =	seq.s32 s7, $0xFFFFFFFF;
	s8 =	smov.u32 @p1 s5  }
0x192: {  	[sflag:s0] =	ssyncpa.u1 $0x0;
	s7 =	smov.u32 @p2 s2;
	s8 =	smov.u32 @p2 s5  }
.LBB2_36:
0x193: {  	p1 =	sgt.u32 s2, $0xC34F8  }
0x194: {  	p2 =	seq.s32 @!p1 s2, s8  }
0x195: {  	p1 =	por p1, p2  }
0x196: {  	p2 =	sne.s32 @!p1 s2, s7  }
0x197: {  	p1 =	por p1, !p2  }
0x198: {  	s2 =	sshll.u32 @p1 s10, $0x8  }
0x199: {  	s3 =	sand.u32 @!p1 $0xFFFF8, s2  }
0x19a: {  	s2 =	sand.u32 @!p1 $0x7, s2;
	s3 =	sadd.s32 @!p1 s1, s3  }
0x19b: {  	[tilespmem:s9], [sflag:$0x6] =	stream.linear.gather @!p1 [hbm4b:s3+s2], $0x40, $0x38;
	[tilespmem:$0x1EF88] =	vst v63  }
0x19c: {  	_ =	swait.ge @!p1 [sflag:s0], $0x40  }
0x19d: {  	[sflag:s0] =	ssyncset.done @!p1 $0x0  }
0x19e: {  	[sflag:s0] =	ssyncadd.s32 @!p1 $0xFFFFFFC0  }
0x19f: {  	v1 =	vld @!p1 [tilespmem:$0xA0C8];
	_ =	sdelay $0x2  }
0x1a0: {  	s2 =	sshll.u32 @!p1 s10, $0x8  }
0x1a1: {  	s3 =	sshrl.u32 @!p1 s2, $0x2  }
0x1a2: {  	[tilespmem:s3+$0xA138] =	vst.add.f32.msk @!p1 $0xffff, v1  }
0x1a3: {  	v1 =	vld @!p1 [tilespmem:$0xA0D8];
	_ =	sdelay $0x4  }
0x1a4: {  	[tilespmem:s3+$0xA148] =	vst.add.f32.msk @!p1 $0xffff, v1  }
0x1a5: {  	v1 =	vld @!p1 [tilespmem:$0xA0E8];
	_ =	sdelay $0x4  }
0x1a6: {  	[tilespmem:s3+$0xA158] =	vst.add.f32.msk @!p1 $0xffff, v1  }
0x1a7: {  	v1 =	vld @!p1 [tilespmem:$0xA0F8];
	_ =	sdelay $0x4  }
0x1a8: {  	[tilespmem:s3+$0xA168] =	vst.add.f32.msk @!p1 $0xffff, v1  }
0x1a9: {  	s2 =	sshrl.u32 s2, $0x2;
	[tilespmem:s6+$0xA118] =	vst.msk $0x1, v0  }
0x1aa: {  	v0 =	vld [tilespmem:s2+$0xA138];
	_ =	sdelay $0x2  }
0x1ab: {  	s31 =	sshll.u32 s6, $0x8  }
0x1ac: {  	s3 =	sshra.s32 s31, $0x2  }
0x1ad: {  	[tilespmem:s3+$0xA138] =	vst v0  }
0x1ae: {  	v0 =	vld [tilespmem:s2+$0xA148];
	_ =	sdelay $0x4  }
0x1af: {  	[tilespmem:s3+$0xA148] =	vst v0  }
0x1b0: {  	v0 =	vld [tilespmem:s2+$0xA158];
	_ =	sdelay $0x4  }
0x1b1: {  	[tilespmem:s3+$0xA158] =	vst v0  }
0x1b2: {  	v0 =	vld [tilespmem:s2+$0xA168];
	_ =	sdelay $0x4  }
0x1b3: {  	s6 =	sadd.s32 $0x1, s6;
	[tilespmem:s3+$0xA168] =	vst v0  }
.LBB2_37:
0x1b4: {  	s10 =	sadd.s32 $0x1, s10  }
0x1b5: {  	p1 =	sne.s32 s10, $0x20  }
.Ltmp22:
0x1b6: {  	_ = 	snop;
	(pc) =	sbr.rel @!p1 .LBB2_38-.Ltmp22, $1  }
0x1b7: {  	_ =	sdelay $0x3  }
.LBB2_30:
0x1b8: {  	v0 =	vld.msk [tilespmem:s10+$0xA118], $0x1;
	_ =	sdelay $0x4  }
0x1b9: {  	(v2sf) =	vpush v0, $0x0;
	_ =	sdelay $0xe  }
0x1ba: {  	s2 =	spop (v2sf)  }
0x1bb: {  	p1 =	seq.s32 s2, $0xFFFFFFFF  }
.Ltmp23:
0x1bc: {  	_ = 	snop;
	(pc) =	sbr.rel @p1 .LBB2_37-.Ltmp23, $1  }
0x1bd: {  	_ =	sdelay $0x3  }
0x1be: {  	p1 =	slt.s32 s6, $0x1  }
.Ltmp24:
0x1bf: {  	_ = 	snop;
	(pc) =	sbr.rel @p1 .LBB2_36-.Ltmp24, $1  }
0x1c0: {  	_ =	sdelay $0x3  }
0x1c1: {  	s3 =	simm.s32 $0xA118;
	p1 =	por $0x0, $0x0  }
0x1c2: {  	v1 =	vld.msk @!p1 [tilespmem:s3+$0x0], $0x1;
	_ =	sdelay $0x4  }
0x1c3: {  	(v2sf) =	vpush @!p1 v1, $0x0;
	_ =	sdelay $0xd  }
0x1c4: {  	p3 =	sne.s32 s6, $0x1  }
.Ltmp25:
0x1c5: {  	s4 =	spop @!p1 (v2sf);
	(pc) =	sbr.rel @!p3 .LBB2_34-.Ltmp25, $4  }
0x1c6: {  	p2 =	seq.s32 @!p1 s2, s4  }
0x1c7: {  	s4 =	simm.s32 $0x0;
	p2 =	por !p2, p1  }
0x1c8: {  	s11 =	simm.s32 $0xFFFFFFFF;
	s4 =	simm.s32 @p2 $0xFFFFFFFF  }
0x1c9: {  	s5 =	simm.s32 $0x1;
	s4 =	smov.u32 @p1 s11  }
.LBB2_33:
0x1ca: {  	s11 =	smov.u32 s4;
	p1 =	sne.s32 s4, $0xFFFFFFFF  }
0x1cb: {  	s3 =	sadd.s32 $0x1, s3;
	s4 =	smov.u32 s5;
	s5 =	sadd.s32 $0x1, s5  }
0x1cc: {  	p2 =	sne.s32 s6, s5;
	v1 =	vld.msk @!p1 [tilespmem:s3+$0x0], $0x1;
	_ =	sdelay $0x4  }
0x1cd: {  	(v2sf) =	vpush @!p1 v1, $0x0;
	_ =	sdelay $0xe  }
.Ltmp26:
0x1ce: {  	s12 =	spop @!p1 (v2sf);
	(pc) =	sbr.rel @p2 .LBB2_33-.Ltmp26, $4  }
0x1cf: {  	p3 =	seq.s32 @!p1 s2, s12  }
0x1d0: {  	p3 =	por !p3, p1  }
0x1d1: {  	s4 =	simm.s32 @p3 $0xFFFFFFFF  }
0x1d2: {  	s4 =	smov.u32 @p1 s11  }
.LBB2_34:
0x1d3: {  	p1 =	seq.s32 s4, $0xFFFFFFFF  }
.Ltmp27:
0x1d4: {  	_ = 	snop;
	(pc) =	sbr.rel @p1 .LBB2_36-.Ltmp27, $1  }
0x1d5: {  	_ =	sdelay $0x3  }
0x1d6: {  	s2 =	sshll.u32 s10, $0x6  }
0x1d7: {  	s2 =	sand.u32 $0x3FFFFFC0, s2  }
0x1d8: {  	v0 =	vld [tilespmem:s2+$0xA138];
	_ =	sdelay $0x2  }
0x1d9: {  	s3 =	sshll.u32 s4, $0x8  }
0x1da: {  	s3 =	sshra.s32 s3, $0x2  }
0x1db: {  	[tilespmem:s3+$0xA138] =	vst.add.f32.msk $0xffff, v0  }
0x1dc: {  	v0 =	vld [tilespmem:s2+$0xA148];
	_ =	sdelay $0x4  }
0x1dd: {  	[tilespmem:s3+$0xA148] =	vst.add.f32.msk $0xffff, v0  }
0x1de: {  	v0 =	vld [tilespmem:s2+$0xA158];
	_ =	sdelay $0x4  }
0x1df: {  	[tilespmem:s3+$0xA158] =	vst.add.f32.msk $0xffff, v0  }
0x1e0: {  	v0 =	vld [tilespmem:s2+$0xA168]  }
.Ltmp28:
0x1e1: {  	_ = 	snop;
	(pc) =	sbr.rel .LBB2_37-.Ltmp28, $2  }
0x1e2: {  	_ =	sdelay $0x2  }
0x1e3: {  	[tilespmem:s3+$0xA168] =	vst.add.f32.msk $0xffff, v0  }
.LBB2_38:
0x1e4: {  	s0 =	simm.s32 $0x6;
	p1 =	seq.s32 s6, $0x0  }
0x1e5: {  	[sflag:s0] =	ssyncpa.u1 $0x1;
	v0 =	vimm.s32 @p1 $0xFFFFFFFF  }
0x1e6: {  	s0 =	sadd.s32 $0xFFFFFFFF, s6;
	[tilespmem:$0xA938] =	vst @p1 v0  }
0x1e7: {  	v0 =	vld.msk @!p1 [tilespmem:s0+$0xA118], $0x1;
	_ =	sdelay $0x1  }
0x1e8: {  	v1 =	vld.msk @!p1 [tilespmem:$0xA118], $0x1;
	_ =	sdelay $0x2  }
0x1e9: {  	p2 =	seq.s32 @!p1 s0, $0x0;
	v0 =	vbroadcast @!p1 v0, $0x0  }
0x1ea: {  	vm0 =	vmmov @!p1 $0x1;
	p2 =	por !p2, p1  }
0x1eb: {  	v1 =	vnsel @!p1 vm0, $0xFFFFFFFF, v1;
	vm0 =	vcmask @!p1 $0x308;
	v0 =	vpsel !p2, $0xFFFFFFFF, v0  }
0x1ec: {  	p2 =	sne.s32 @!p1 s8, s7;
	v0 =	vsel @!p1 vm0, v1, v0  }
0x1ed: {  	s2 =	simm.s32 @!p1 $0xA138;
	s3 =	simm.s32 @!p1 $0x0;
	p3 =	por !p2, p1;
	[tilespmem:$0xA938] =	vst @!p1 v0  }
0x1ee: {  	[spmem:s3] =	stream.linear.scatter @!p1 [tilespmem:s2], [sflag:$0x1], $0x40, $0x38;
	[tilespmem:$0x1EF88] =	vst v63  }
0x1ef: {  	s2 =	sshll.u32 @!p3 s0, $0x8  }
0x1f0: {  	s2 =	sshra.s32 @!p3 s2, $0x2  }
0x1f1: {  	s3 =	simm.s32 @!p3 $0x40;
	s2 =	sadd.s32 @!p3 $0xA138, s2  }
0x1f2: {  	[spmem:s3] =	stream.linear.scatter @!p3 [tilespmem:s2], [sflag:$0x1], $0x40, $0x38;
	[tilespmem:$0x1EF88] =	vst v63  }
0x1f3: {  	s2 =	simm.s32 @!p3 $0x1  }
0x1f4: {  	_ =	swait.ge @!p3 [sflag:s2], $0x80  }
0x1f5: {  	p1 =	por p2, p1;
	[sflag:s2] =	ssyncset.done @!p3 $0x0  }
0x1f6: {  	[sflag:s2] =	ssyncadd.s32 @!p3 $0xFFFFFF80;
	s2 =	simm.s32 @!p1 $0x1  }
0x1f7: {  	_ =	swait.ge @!p1 [sflag:s2], $0x40  }
0x1f8: {  	s29 =	simm.s32 $0xA938;
	[sflag:s2] =	ssyncset.done @!p1 $0x0  }
0x1f9: {  	s30 =	simm.s32 $0x800;
	s31 =	simm.s32 $0x1;
	[sflag:s2] =	ssyncadd.s32 @!p1 $0xFFFFFFC0  }
0x1fa: {  	[spmem:s30] =	stream.linear.scatter [tilespmem:s29], [sflag:$0x1], $0x10, $0x38;
	[tilespmem:$0x1EF88] =	vst v63  }
0x1fb: {  	_ =	swait.ge [sflag:s31], $0x10  }
0x1fc: {  	[sflag:s31] =	ssyncset.done $0x0  }
0x1fd: {  	p1 =	seq.s32 s13, $0x0;
	s9 =	rddreg [dreg:$0x1];
	[sflag:s31] =	ssyncadd.s32 $0xFFFFFFF0  }
0x1fe: {  	s3 =	sshll.u32 @p1 s9, $0xE;
	s8 =	rddreg [dreg:$0x2]  }
0x1ff: {  	s2 =	sadd.s32 @p1 $0x15C3C, s3;
	s3 =	sshll.u32 @p1 s8, $0x11  }
0x200: {  	_ =	sfence.stream.spmem;
	s2 =	sor.u32 @p1 s3, s2  }
0x201: {  	[sflag:s2] =	ssyncadd.remote.s32 @p1 $0x1;
	s2 =	simm.s32 @p1 $0x4  }
0x202: {  	s4 =	simm.s32 @!p1 $0x3C;
	s3 =	sand.u32 $0xFFFFFFFE, s9;
	_ =	swait.ge @p1 [sflag:s2], $0x12  }
0x203: {  	s5 =	simm.s32 @!p1 $0x0;
	s3 =	sadd.s32 @!p1 $0x4, s3;
	[sflag:s2] =	ssyncset.done @p1 $0x0  }
0x204: {  	s7 =	simm.s32 @!p1 $0x80;
	[sflag:s2] =	ssyncadd.s32 @p1 $0xFFFFFFEE;
	s2 =	sshll.u32 @!p1 s3, $0x1A  }
0x205: {  	s3 =	sshll.u32 @!p1 s3, $0xD;
	s2 =	sor.u32 @!p1 s2, s8;
	_ =	swait.eq @!p1 [sflag:s4], $0x1  }
0x206: {  	s3 =	sor.u32 @!p1 $0x1C04, s3;
	s4 =	simm.s32 @!p1 $0x1C03;
	s2 =	sor.u32 @!p1 $0x80004000, s2  }
0x207: {  	[spmem:s7], [sflag:s3] =	dma.general @!p1 [spmem:s5], [sflag:s4], length:$0x10, [dreg:$0x0], stride_count:$0x0, ici_dest:s2, dma_misc:DstOpCode:WRITE  }
0x208: {  	p2 =	slt.s32 s0, $0x2;
	s5 =	simm.s32 @!p1 $0x100;
	s7 =	simm.s32 @!p1 $0x102  }
0x209: {  	[spmem:s7], [sflag:s3] =	dma.general @!p1 [spmem:s5], [sflag:s4], length:$0x2, [dreg:$0x0], stride_count:$0x0, ici_dest:s2, dma_misc:DstOpCode:WRITE  }
.Ltmp29:
0x20a: {  	s2 =	simm.s32 @!p1 $0x3;
	(pc) =	sbr.rel @p2 .LBB2_42-.Ltmp29, $4  }
0x20b: {  	s3 =	sshll.u32 @!p1 s9, $0xE;
	_ =	swait.ge @!p1 [sflag:s2], $0x12  }
0x20c: {  	s4 =	sshll.u32 @!p1 s8, $0x11;
	s3 =	sadd.s32 @!p1 $0x11C3C, s3;
	[sflag:s2] =	ssyncset.done @!p1 $0x0  }
0x20d: {  	[sflag:s2] =	ssyncadd.s32 @!p1 $0xFFFFFFEE;
	s2 =	sor.u32 @!p1 s4, s3  }
0x20e: {  	s0 =	simm.s32 $0x0;
	[sflag:s2] =	ssyncadd.remote.s32 @!p1 $0xFFFFFFFF  }
0x20f: {  	s0 =	simm.s32 $0xA119  }
0x210: {  	v0 =	vld.msk [tilespmem:s0+$0x0], $0x1;
	_ =	sdelay $0x4  }
0x211: {  	(v2sf) =	vpush v0, $0x0;
	_ =	sdelay $0xc  }
0x212: {  	s2 =	sadd.s32 $0xFFFFFFFE, s6  }
0x213: {  	s2 =	sadd.s32 $0xFFFFFFFF, s2  }
0x214: {  	p2 =	sne.s32 s2, $0x0;
	s3 =	spop (v2sf)  }
.Ltmp30:
0x215: {  	p1 =	sgt.u32 s3, $0xC34F8;
	(pc) =	sbr.rel @!p2 .LBB2_41-.Ltmp30, $4  }
0x216: {  	s5 =	simm.s32 $0x0;
	s4 =	sand.u32 @!p1 $0xFFFF8, s3  }
0x217: {  	s0 =	simm.s32 $0xA178;
	s3 =	sand.u32 @!p1 $0x7, s3;
	s4 =	sadd.s32 @!p1 s1, s4  }
0x218: {  	[hbm4b:s4+s3] =	stream.linear.scatter @!p1 [tilespmem:s0], [sflag:$0x5], $0x40, $0x38;
	[tilespmem:$0x1EF88] =	vst v63  }
0x219: {  	s5 =	simm.s32 @!p1 $0x100;
	s3 =	simm.s32 $0x0;
	s4 =	simm.s32 $0xA11A  }
.LBB2_40:
0x21a: {  	v0 =	vld.msk [tilespmem:s4+$0x0], $0x1;
	s2 =	sadd.s32 $0xFFFFFFFF, s2;
	s3 =	sadd.s32 s3, s5  }
0x21b: {  	p1 =	sne.s32 s2, $0x0;
	_ =	sdelay $0x3  }
0x21c: {  	(v2sf) =	vpush v0, $0x0;
	_ =	sdelay $0xe  }
.Ltmp31:
0x21d: {  	s6 =	spop (v2sf);
	(pc) =	sbr.rel @p1 .LBB2_40-.Ltmp31, $4  }
0x21e: {  	s5 =	simm.s32 $0x0;
	p2 =	sgt.u32 s6, $0xC34F8  }
0x21f: {  	s0 =	sadd.s32 $0x40, s0;
	s5 =	simm.s32 @!p2 $0x100;
	s7 =	sand.u32 @!p2 $0xFFFF8, s6  }
0x220: {  	s4 =	sadd.s32 $0x1, s4;
	s6 =	sand.u32 @!p2 $0x7, s6;
	s7 =	sadd.s32 @!p2 s1, s7  }
0x221: {  	[hbm4b:s7+s6] =	stream.linear.scatter @!p2 [tilespmem:s0], [sflag:$0x5], $0x40, $0x38;
	[tilespmem:$0x1EF88] =	vst v63  }
.LBB2_41:
0x222: {  	s0 =	sadd.s32 s3, s5  }
0x223: {  	s0 =	sshrl.u32 s0, $0x2  }
.LBB2_42:
0x224: {  	s2 =	simm.s32 $0x5  }
0x225: {  	_ =	swait.ge [sflag:s2], s0  }
0x226: {  	s31 =	ssub.s32 $0x0, s0;
	[sflag:s2] =	ssyncset.done $0x0  }
0x227: {  	[sflag:s2] =	ssyncadd.s32 s31  }
0x228: {  	[sflag:s2] =	ssyncpa.u1 $0x1  }
.LBB2_43:
0x229: {  	s0 =	sor.u32 s13, s14  }
0x22a: {  	p1 =	sne.s32 s0, $0x0  }
.Ltmp32:
0x22b: {  	_ = 	snop;
	(pc) =	sbr.rel @p1 .LBB2_58-.Ltmp32, $3  }
0x22c: {  	_ =	sdelay $0x1  }
0x22d: {  	[bflag:$0x0] =	sbarrier.arrive $0xFFFF  }
0x22e: {  	_ =	sfence  }
0x22f: {  	s2 =	simm.s32 $0x7  }
0x230: {  	s0 =	simm.s32 $0x800;
	s3 =	simm.s32 $0xA118;
	[sflag:s2] =	ssyncpa.u1 $0x0  }
0x231: {  	[tilespmem:s3], [sflag:$0x7] =	stream.linear.gather [spmem:s0], $0x20, $0x38;
	[tilespmem:$0x1EF88] =	vst v63  }
0x232: {  	s30 =	simm.s32 $0xA138;
	s0 =	simm.s32 $0x0  }
0x233: {  	[tilespmem:s30], [sflag:$0x7] =	stream.linear.gather [spmem:s0], $0x800, $0x38;
	[tilespmem:$0x1EF88] =	vst v63  }
.Ltmp33:
0x234: {  	_ = 	snop;
	(pc) =	sbr.rel .LBB2_45-.Ltmp33, $4  }
0x235: {  	_ =	swait.ge [sflag:s2], $0x820  }
0x236: {  	[sflag:s2] =	ssyncset.done $0x0  }
0x237: {  	s31 =	simm.s32 $0x8;
	[sflag:s2] =	ssyncadd.s32 $0xFFFFF7E0  }
0x238: {  	s2 =	simm.s32 $0x0;
	[sflag:s31] =	ssyncpa.u1 $0x0  }
.LBB2_51:
0x239: {  	p1 =	slt.u32 s3, $0xC34F9  }
0x23a: {  	s4 =	sand.u32 @p1 $0xFFFF8, s3  }
0x23b: {  	s3 =	sand.u32 @p1 $0x7, s3;
	s5 =	simm.s32 @p1 $0xA0C8;
	s4 =	sadd.s32 @p1 s1, s4  }
0x23c: {  	[tilespmem:s5], [sflag:$0x8] =	stream.linear.gather @p1 [hbm4b:s4+s3], $0x40, $0x38;
	[tilespmem:$0x1EF88] =	vst v63  }
0x23d: {  	s3 =	simm.s32 @p1 $0x8  }
0x23e: {  	_ =	swait.ge @p1 [sflag:s3], $0x40  }
0x23f: {  	[sflag:s3] =	ssyncset.done @p1 $0x0  }
0x240: {  	[sflag:s3] =	ssyncadd.s32 @p1 $0xFFFFFFC0  }
0x241: {  	v1 =	vld @p1 [tilespmem:$0xA0C8];
	_ =	sdelay $0x2  }
0x242: {  	s3 =	sshll.u32 @p1 s2, $0x8  }
0x243: {  	s4 =	sshrl.u32 @p1 s3, $0x2  }
0x244: {  	[tilespmem:s4+$0xA138] =	vst.add.f32.msk @p1 $0xffff, v1  }
0x245: {  	v1 =	vld @p1 [tilespmem:$0xA0D8];
	_ =	sdelay $0x4  }
0x246: {  	[tilespmem:s4+$0xA148] =	vst.add.f32.msk @p1 $0xffff, v1  }
0x247: {  	v1 =	vld @p1 [tilespmem:$0xA0E8];
	_ =	sdelay $0x4  }
0x248: {  	[tilespmem:s4+$0xA158] =	vst.add.f32.msk @p1 $0xffff, v1  }
0x249: {  	v1 =	vld @p1 [tilespmem:$0xA0F8];
	_ =	sdelay $0x3  }
0x24a: {  	s5 =	sshll.u32 @!p1 s2, $0x8  }
0x24b: {  	s5 =	smov.u32 @p1 s3;
	[tilespmem:s4+$0xA168] =	vst.add.f32.msk @p1 $0xffff, v1  }
0x24c: {  	s3 =	sshrl.u32 s5, $0x2;
	[tilespmem:s0+$0xA118] =	vst.msk $0x1, v0  }
0x24d: {  	v0 =	vld [tilespmem:s3+$0xA138];
	_ =	sdelay $0x2  }
0x24e: {  	s31 =	sshll.u32 s0, $0x8  }
0x24f: {  	s4 =	sshra.s32 s31, $0x2  }
0x250: {  	[tilespmem:s4+$0xA138] =	vst v0  }
0x251: {  	v0 =	vld [tilespmem:s3+$0xA148];
	_ =	sdelay $0x4  }
0x252: {  	[tilespmem:s4+$0xA148] =	vst v0  }
0x253: {  	v0 =	vld [tilespmem:s3+$0xA158];
	_ =	sdelay $0x4  }
0x254: {  	[tilespmem:s4+$0xA158] =	vst v0  }
0x255: {  	v0 =	vld [tilespmem:s3+$0xA168];
	_ =	sdelay $0x4  }
0x256: {  	s0 =	sadd.s32 $0x1, s0;
	[tilespmem:s4+$0xA168] =	vst v0  }
.LBB2_52:
0x257: {  	s2 =	sadd.s32 $0x1, s2  }
0x258: {  	p1 =	sne.s32 s2, $0x20  }
.Ltmp34:
0x259: {  	_ = 	snop;
	(pc) =	sbr.rel @!p1 .LBB2_53-.Ltmp34, $1  }
0x25a: {  	_ =	sdelay $0x3  }
.LBB2_45:
0x25b: {  	v0 =	vld.msk [tilespmem:s2+$0xA118], $0x1;
	_ =	sdelay $0x4  }
0x25c: {  	(v2sf) =	vpush v0, $0x0;
	_ =	sdelay $0xe  }
0x25d: {  	s3 =	spop (v2sf)  }
0x25e: {  	p1 =	seq.s32 s3, $0xFFFFFFFF  }
.Ltmp35:
0x25f: {  	_ = 	snop;
	(pc) =	sbr.rel @p1 .LBB2_52-.Ltmp35, $1  }
0x260: {  	_ =	sdelay $0x3  }
0x261: {  	p1 =	slt.s32 s0, $0x1  }
.Ltmp36:
0x262: {  	_ = 	snop;
	(pc) =	sbr.rel @p1 .LBB2_51-.Ltmp36, $1  }
0x263: {  	_ =	sdelay $0x3  }
0x264: {  	s4 =	simm.s32 $0xA118;
	p1 =	por $0x0, $0x0  }
0x265: {  	v1 =	vld.msk @!p1 [tilespmem:s4+$0x0], $0x1;
	_ =	sdelay $0x4  }
0x266: {  	(v2sf) =	vpush @!p1 v1, $0x0;
	_ =	sdelay $0xd  }
0x267: {  	p3 =	sne.s32 s0, $0x1  }
.Ltmp37:
0x268: {  	s5 =	spop @!p1 (v2sf);
	(pc) =	sbr.rel @!p3 .LBB2_49-.Ltmp37, $4  }
0x269: {  	p2 =	seq.s32 @!p1 s3, s5  }
0x26a: {  	s5 =	simm.s32 $0x0;
	p2 =	por !p2, p1  }
0x26b: {  	s7 =	simm.s32 $0xFFFFFFFF;
	s5 =	simm.s32 @p2 $0xFFFFFFFF  }
0x26c: {  	s6 =	simm.s32 $0x1;
	s5 =	smov.u32 @p1 s7  }
.LBB2_48:
0x26d: {  	s7 =	smov.u32 s5;
	p1 =	sne.s32 s5, $0xFFFFFFFF  }
0x26e: {  	s4 =	sadd.s32 $0x1, s4;
	s5 =	smov.u32 s6;
	s6 =	sadd.s32 $0x1, s6  }
0x26f: {  	p2 =	sne.s32 s0, s6;
	v1 =	vld.msk @!p1 [tilespmem:s4+$0x0], $0x1;
	_ =	sdelay $0x4  }
0x270: {  	(v2sf) =	vpush @!p1 v1, $0x0;
	_ =	sdelay $0xe  }
.Ltmp38:
0x271: {  	s8 =	spop @!p1 (v2sf);
	(pc) =	sbr.rel @p2 .LBB2_48-.Ltmp38, $4  }
0x272: {  	p3 =	seq.s32 @!p1 s3, s8  }
0x273: {  	p3 =	por !p3, p1  }
0x274: {  	s5 =	simm.s32 @p3 $0xFFFFFFFF  }
0x275: {  	s5 =	smov.u32 @p1 s7  }
.LBB2_49:
0x276: {  	p1 =	seq.s32 s5, $0xFFFFFFFF  }
.Ltmp39:
0x277: {  	_ = 	snop;
	(pc) =	sbr.rel @p1 .LBB2_51-.Ltmp39, $1  }
0x278: {  	_ =	sdelay $0x3  }
0x279: {  	s3 =	sshll.u32 s2, $0x6  }
0x27a: {  	s3 =	sand.u32 $0x3FFFFFC0, s3  }
0x27b: {  	v0 =	vld [tilespmem:s3+$0xA138];
	_ =	sdelay $0x2  }
0x27c: {  	s4 =	sshll.u32 s5, $0x8  }
0x27d: {  	s4 =	sshra.s32 s4, $0x2  }
0x27e: {  	[tilespmem:s4+$0xA138] =	vst.add.f32.msk $0xffff, v0  }
0x27f: {  	v0 =	vld [tilespmem:s3+$0xA148];
	_ =	sdelay $0x4  }
0x280: {  	[tilespmem:s4+$0xA148] =	vst.add.f32.msk $0xffff, v0  }
0x281: {  	v0 =	vld [tilespmem:s3+$0xA158];
	_ =	sdelay $0x4  }
0x282: {  	[tilespmem:s4+$0xA158] =	vst.add.f32.msk $0xffff, v0  }
0x283: {  	v0 =	vld [tilespmem:s3+$0xA168]  }
.Ltmp40:
0x284: {  	_ = 	snop;
	(pc) =	sbr.rel .LBB2_52-.Ltmp40, $2  }
0x285: {  	_ =	sdelay $0x2  }
0x286: {  	[tilespmem:s4+$0xA168] =	vst.add.f32.msk $0xffff, v0  }
.LBB2_53:
0x287: {  	p1 =	slt.s32 s0, $0x1  }
.Ltmp41:
0x288: {  	_ = 	snop;
	(pc) =	sbr.rel @p1 .LBB2_57-.Ltmp41, $3  }
0x289: {  	_ =	sdelay $0x1  }
0x28a: {  	s2 =	simm.s32 $0x8  }
0x28b: {  	[sflag:s2] =	ssyncpa.u1 $0x1;
	s2 =	simm.s32 $0x0  }
0x28c: {  	s3 =	simm.s32 $0xA118  }
0x28d: {  	v0 =	vld.msk [tilespmem:s3+$0x0], $0x1;
	_ =	sdelay $0x4  }
0x28e: {  	(v2sf) =	vpush v0, $0x0;
	_ =	sdelay $0xe  }
0x28f: {  	s0 =	sadd.s32 $0xFFFFFFFF, s0;
	s4 =	spop (v2sf)  }
0x290: {  	p2 =	sne.s32 s0, $0x0;
	p1 =	sgt.u32 s4, $0xC34F8  }
.Ltmp42:
0x291: {  	s5 =	sand.u32 @!p1 $0xFFFF8, s4;
	(pc) =	sbr.rel @!p2 .LBB2_56-.Ltmp42, $4  }
0x292: {  	s3 =	simm.s32 $0xA138;
	s4 =	sand.u32 @!p1 $0x7, s4;
	s5 =	sadd.s32 @!p1 s1, s5  }
0x293: {  	[hbm4b:s5+s4] =	stream.linear.scatter @!p1 [tilespmem:s3], [sflag:$0x7], $0x40, $0x38;
	[tilespmem:$0x1EF88] =	vst v63  }
0x294: {  	s5 =	simm.s32 $0x0  }
0x295: {  	s4 =	simm.s32 $0xA119;
	s5 =	simm.s32 @!p1 $0x100  }
.LBB2_55:
0x296: {  	v0 =	vld.msk [tilespmem:s4+$0x0], $0x1;
	s0 =	sadd.s32 $0xFFFFFFFF, s0;
	s2 =	sadd.s32 s2, s5  }
0x297: {  	p1 =	sne.s32 s0, $0x0;
	_ =	sdelay $0x3  }
0x298: {  	(v2sf) =	vpush v0, $0x0;
	_ =	sdelay $0xe  }
.Ltmp43:
0x299: {  	s6 =	spop (v2sf);
	(pc) =	sbr.rel @p1 .LBB2_55-.Ltmp43, $4  }
0x29a: {  	s5 =	simm.s32 $0x0;
	p2 =	sgt.u32 s6, $0xC34F8  }
0x29b: {  	s3 =	sadd.s32 $0x40, s3;
	s5 =	simm.s32 @!p2 $0x100;
	s7 =	sand.u32 @!p2 $0xFFFF8, s6  }
0x29c: {  	s4 =	sadd.s32 $0x1, s4;
	s6 =	sand.u32 @!p2 $0x7, s6;
	s7 =	sadd.s32 @!p2 s1, s7  }
0x29d: {  	[hbm4b:s7+s6] =	stream.linear.scatter @!p2 [tilespmem:s3], [sflag:$0x7], $0x40, $0x38;
	[tilespmem:$0x1EF88] =	vst v63  }
.LBB2_56:
0x29e: {  	s0 =	sadd.s32 s2, s5  }
0x29f: {  	s2 =	sshrl.u32 s0, $0x2  }
.LBB2_57:
0x2a0: {  	s0 =	simm.s32 $0x7  }
0x2a1: {  	_ =	swait.ge [sflag:s0], s2  }
0x2a2: {  	s1 =	ssub.s32 $0x0, s2;
	[sflag:s0] =	ssyncset.done $0x0  }
0x2a3: {  	[sflag:s0] =	ssyncadd.s32 s1  }
0x2a4: {  	[sflag:s0] =	ssyncpa.u1 $0x1  }
.LBB2_58:
0x2a5: {  	_ =	sfence;
	s0 =	simm.s32 $0x1  }
0x2a6: {  	[sflag:s0] =	ssyncpa.u1 $0x1  }
0x2a7: {  	_ =	strace $0x9000004A  }
0x2a8: {  	[bflag:$0x2] =	sbarrier.arrive $0xFFFF  }
0x2a9: {  	s0 =	rddreg [dreg:$0x3]  }
0x2aa: {  	s0 =	sadd.s32 @!p0 $0x100000, s0  }
0x2ab: {  	[sflag:s0] =	ssyncadd.tile.s32 @!p0 $0x1;
	_ =	shalt  }
.Lfunc_end2:
_tile_overlayer_lowered:
.L_overlay_start_2:
0x2ac: {  	(tag) =	ssettag $0x2  }
0x2ad: {  	s0 =	rddreg [dreg:$0x0];
	s2 =	stileid.u32  }
0x2ae: {  	s1 =	rddreg [dreg:$0x1];
	p0 =	sne.s32 s2, $0x0  }
0x2af: {  	s3 =	rddreg [dreg:$0x2];
	[bflag:$0x3] =	sbarrier.arrive $0xFFFF;
	s2 =	simm.s32 @!p0 $0x1C01  }
0x2b0: {  	[timem:s3], [sflag:s2] =	dma.local @!p0 [hbm:s0], s1  }
0x2b1: {  	s0 =	simm.s32 @!p0 $0x1  }
0x2b2: {  	_ =	swait.ge @!p0 [sflag:s0], s1  }
0x2b3: {  	s1 =	ssub.s32 @!p0 $0x0, s1;
	[sflag:s0] =	ssyncset.done @!p0 $0x0  }
0x2b4: {  	[sflag:s0] =	ssyncadd.s32 @!p0 s1  }
0x2b5: {  	[bflag:$0x3] =	sbarrier.arrive $0xFFFF  }
0x2b6: {  	_ =	shalt  }

</sc_bundles>
